<compile_context>
chip_gen: v7x
topology: tpu7x:2x2x1
jax: 0.10.2.dev20260603
libtpu: 0.0.44.dev20260713+nightly
codegen_flags: <defaults>
</compile_context>

<pallas_src>
import functools

import jax
import jax.numpy as jnp
from jax import lax
from jax.experimental import pallas as pl
from jax.experimental.pallas import tpu as pltpu
from jax.experimental.pallas import tpu_sc as plsc

N_NODES = 10000
N_EDGES = 320000
D_FEAT = 128
D_HALF = D_FEAT // 2
D_EDGE = 16
OUT_DIM = 128

NC = 2
NS = 16
CHUNK = 125
NBUF = 3
EDGES_PER_TILE = N_EDGES // NS
NCH = EDGES_PER_TILE // CHUNK
N_PAD = 10240
ROWS_PER_TILE = N_PAD // NS

_sc_mesh = plsc.VectorSubcoreMesh(
    core_axis_name="c", subcore_axis_name="s", num_cores=NC)


@functools.partial(
    pl.kernel,
    out_type=(
        jax.ShapeDtypeStruct((NC, N_PAD, D_HALF), jnp.float32),
        jax.ShapeDtypeStruct((N_PAD, D_EDGE), jnp.float32),
        jax.ShapeDtypeStruct((N_PAD, 16), jnp.float32),
    ),
    mesh=_sc_mesh,
    compiler_params=pltpu.CompilerParams(use_tc_tiling_on_sc=False),
    scratch_types=(
        pltpu.VMEM((NCH, CHUNK), jnp.int32),
        pltpu.VMEM((NCH, CHUNK), jnp.int32),
        pltpu.VMEM((CHUNK, D_HALF), jnp.float32),
        pltpu.VMEM((CHUNK, D_HALF), jnp.float32),
        pltpu.VMEM((CHUNK, D_HALF), jnp.float32),
        pltpu.VMEM((CHUNK, D_EDGE), jnp.float32),
        pltpu.VMEM((CHUNK, D_EDGE), jnp.float32),
        pltpu.VMEM((CHUNK, D_EDGE), jnp.float32),
        pltpu.VMEM((CHUNK, 16), jnp.float32),
        pltpu.VMEM_SHARED((N_PAD, D_HALF), jnp.float32),
        pltpu.VMEM_SHARED((N_PAD, 16), jnp.float32),
        pltpu.SemaphoreType.DMA,
        pltpu.SemaphoreType.DMA,
        pltpu.SemaphoreType.DMA,
        pltpu.SemaphoreType.DMA,
        pltpu.SemaphoreType.DMA,
        pltpu.SemaphoreType.DMA,
        pltpu.SemaphoreType.DMA,
        pltpu.SemaphoreType.DMA,
        pltpu.SemaphoreType.DMA,
    ),
)
def _sc_accumulate(src_hbm, dst_hbm, x_hbm, ef_hbm, z64_hbm, z16_hbm, ones_hbm,
                   accx_hbm, acce_hbm, accc_hbm,
                   src_v, dst_v, xb0, xb1, xb2, eb0, eb1, eb2,
                   onesbuf, shx, shm,
                   g0, g1, g2, e0, e1, e2, s0, s1, s2):
    c = lax.axis_index("c")
    s = lax.axis_index("s")
    xbufs = (xb0, xb1, xb2)
    ebufs = (eb0, eb1, eb2)
    gsems = (g0, g1, g2)
    esems = (e0, e1, e2)
    ssems = (s0, s1, s2)

    r0 = s * ROWS_PER_TILE
    pltpu.sync_copy(z64_hbm, shx.at[pl.ds(r0, ROWS_PER_TILE)])
    pltpu.sync_copy(z16_hbm, shm.at[pl.ds(r0, ROWS_PER_TILE)])

    @pl.when(c == 1)
    def _():
        pltpu.sync_copy(ones_hbm, onesbuf)

    pltpu.sync_copy(src_hbm.at[s], src_v)
    pltpu.sync_copy(dst_hbm.at[s], dst_v)
    plsc.subcore_barrier()

    ef_base = s * EDGES_PER_TILE

    def issue_gather(ci, p):
        pltpu.async_copy(x_hbm.at[c].at[src_v.at[ci]], xbufs[p], gsems[p])

        @pl.when(c == 0)
        def _():
            pltpu.async_copy(
                ef_hbm.at[pl.ds(ef_base + ci * CHUNK, CHUNK)],
                ebufs[p], esems[p])

    def drain_gather(p):
        pltpu.make_async_copy(
            x_hbm.at[c].at[src_v.at[0]], xbufs[p], gsems[p]).wait()

        @pl.when(c == 0)
        def _():
            pltpu.make_async_copy(
                ef_hbm.at[pl.ds(0, CHUNK)], ebufs[p], esems[p]).wait()

    def issue_scatter(ci, p):
        pltpu.async_copy(xbufs[p], shx.at[dst_v.at[ci]], ssems[p], add=True)

        @pl.when(c == 0)
        def _():
            pltpu.async_copy(ebufs[p], shm.at[dst_v.at[ci]], ssems[p],
                             add=True)

        @pl.when(c == 1)
        def _():
            pltpu.async_copy(onesbuf, shm.at[dst_v.at[ci]], ssems[p],
                             add=True)

    def drain_scatter(p):
        pltpu.make_async_copy(xbufs[p], shx.at[dst_v.at[0]], ssems[p]).wait()

        @pl.when(c == 0)
        def _():
            pltpu.make_async_copy(
                ebufs[p], shm.at[dst_v.at[0]], ssems[p]).wait()

        @pl.when(c == 1)
        def _():
            pltpu.make_async_copy(
                onesbuf, shm.at[dst_v.at[0]], ssems[p]).wait()

    def process(ci, p, drain):
        drain_gather(p)
        issue_scatter(ci, p)
        pn = (p + 2) % NBUF
        if drain:
            drain_scatter(pn)
        issue_gather(jnp.minimum(ci + 2, NCH - 1), pn)

    issue_gather(0, 0)
    issue_gather(1, 1)
    process(0, 0, drain=False)
    process(1, 1, drain=True)
    process(2, 2, drain=True)

    def tri_body(j, carry):
        a = 3 * j
        process(a, 0, drain=True)
        process(a + 1, 1, drain=True)
        process(a + 2, 2, drain=True)
        return carry

    lax.fori_loop(1, NCH // 3, tri_body, 0)
    process(NCH - 1, 0, drain=True)

    drain_gather(1)
    drain_gather(2)
    drain_scatter(0)

    plsc.subcore_barrier()

    pltpu.sync_copy(shx.at[pl.ds(r0, ROWS_PER_TILE)],
                    accx_hbm.at[c].at[pl.ds(r0, ROWS_PER_TILE)])
    @pl.when(c == 0)
    def _():
        pltpu.sync_copy(shm.at[pl.ds(r0, ROWS_PER_TILE)],
                        acce_hbm.at[pl.ds(r0, ROWS_PER_TILE)])

    @pl.when(c == 1)
    def _():
        pltpu.sync_copy(shm.at[pl.ds(r0, ROWS_PER_TILE)],
                        accc_hbm.at[pl.ds(r0, ROWS_PER_TILE)])


def _finish_body(accx_ref, acce_ref, accc_ref, wx_ref, we_ref, b_ref, out_ref):
    acc0 = accx_ref[0, :N_NODES]
    acc1 = accx_ref[1, :N_NODES]
    acce = acce_ref[:N_NODES]
    counts = accc_ref[:N_NODES, 0:1]
    sums = jnp.dot(acc0, wx_ref[:D_HALF], preferred_element_type=jnp.float32)
    sums = sums + jnp.dot(acc1, wx_ref[D_HALF:], preferred_element_type=jnp.float32)
    sums = sums + jnp.dot(acce, we_ref[...], preferred_element_type=jnp.float32)
    sums = sums + counts * b_ref[...]
    out_ref[...] = sums / jnp.maximum(counts, 1.0)


_finish = pl.pallas_call(
    _finish_body,
    out_shape=jax.ShapeDtypeStruct((N_NODES, OUT_DIM), jnp.float32),
)


def kernel(x, edge_index, edge_features, W, b):
    src = edge_index[0].astype(jnp.int32).reshape(NS, NCH, CHUNK)
    dst = edge_index[1].astype(jnp.int32).reshape(NS, NCH, CHUNK)
    xsplit = x.reshape(N_NODES, NC, D_HALF).transpose(1, 0, 2)
    z64 = jnp.zeros((ROWS_PER_TILE, D_HALF), jnp.float32)
    z16 = jnp.zeros((ROWS_PER_TILE, 16), jnp.float32)
    ones = jnp.ones((CHUNK, 16), jnp.float32)
    accx, acce, accc = _sc_accumulate(src, dst, xsplit, edge_features,
                                      z64, z16, ones)
    wx = W[:D_FEAT]
    we = W[D_FEAT:]
    return _finish(accx, acce, accc, wx, we, b.reshape(1, OUT_DIM))

# --- scband reference (transcript-rebuilt; emitter-appended) ---
"""Pipeline reference for scband-tegconv-88227218195146 (READ-ONLY COPY).

The authoritative reference and input builder live on the scoring server;
editing this copy changes nothing except your own understanding.
"""

import jax, jax.numpy as jnp
import numpy as np

N_NODES = 10000
N_EDGES = 320000
D_FEAT = 128
D_EDGE = 16
IN_DIM = D_FEAT + D_EDGE
OUT_DIM = 128


def setup_inputs(seed: int = 0) -> dict:
    key = jax.random.key(seed)
    k_x, k_ei, k_ef, k_w, k_b = jax.random.split(key, 5)
    x = jax.random.normal(k_x, (N_NODES, D_FEAT), dtype=jnp.float32)
    edge_index = jax.random.randint(k_ei, (2, N_EDGES), 0, N_NODES, dtype=jnp.int64)
    edge_features = jax.random.normal(k_ef, (N_EDGES, D_EDGE), dtype=jnp.float32)
    # Linear layer params (stored as [in, out] so y = x @ W + b)
    bound = 1.0 / np.sqrt(IN_DIM)
    W = jax.random.uniform(k_w, (IN_DIM, OUT_DIM), dtype=jnp.float32, minval=-bound, maxval=bound)
    b = jax.random.uniform(k_b, (OUT_DIM,), dtype=jnp.float32, minval=-bound, maxval=bound)
    return {"x": x, "edge_index": edge_index, "edge_features": edge_features, "W": W, "b": b}


def reference(x, edge_index, edge_features, W, b):
    src = edge_index[0, :]
    dst = edge_index[1, :]
    # gather source node features
    xs = jnp.take(x, src, axis=0)
    # concat with edge features, apply edge MLP (Linear)
    x2 = jnp.concatenate([xs, edge_features], axis=1)
    x2 = x2 @ W + b
    # scatter_mean over destination nodes
    n = x.shape[0]
    sums = jax.ops.segment_sum(x2, dst, num_segments=n)
    counts = jax.ops.segment_sum(jnp.ones((dst.shape[0],), dtype=x2.dtype), dst, num_segments=n)
    out = sums / jnp.clip(counts, 1.0)[:, None]
    return out

if __name__ == "__main__":
    import jax
    _d = setup_inputs()
    print(jax.jit(kernel)(*tuple(_d.values())))

</pallas_src>

<mosaic_0001>
#map = affine_map<(d0, d1) -> (0, 0, 0)>
#map1 = affine_map<(d0, d1) -> (0, 0)>
module attributes {stable_mosaic.version = 14 : i64} {
  func.func @_sc_accumulate(%arg0: i32, %arg1: i32, %arg2: memref<16x160x125xi32, #tpu.memory_space<hbm>>, %arg3: memref<16x160x125xi32, #tpu.memory_space<hbm>>, %arg4: memref<2x10000x64xf32, #tpu.memory_space<hbm>>, %arg5: memref<320000x16xf32, #tpu.memory_space<hbm>>, %arg6: memref<640x64xf32, #tpu.memory_space<hbm>>, %arg7: memref<640x16xf32, #tpu.memory_space<hbm>>, %arg8: memref<125x16xf32, #tpu.memory_space<hbm>>, %arg9: memref<2x10240x64xf32, #tpu.memory_space<hbm>>, %arg10: memref<10240x16xf32, #tpu.memory_space<hbm>>, %arg11: memref<10240x16xf32, #tpu.memory_space<hbm>>, %arg12: memref<160x125xi32, #tpu.memory_space<vmem>>, %arg13: memref<160x125xi32, #tpu.memory_space<vmem>>, %arg14: memref<125x64xf32, #tpu.memory_space<vmem>>, %arg15: memref<125x64xf32, #tpu.memory_space<vmem>>, %arg16: memref<125x64xf32, #tpu.memory_space<vmem>>, %arg17: memref<125x16xf32, #tpu.memory_space<vmem>>, %arg18: memref<125x16xf32, #tpu.memory_space<vmem>>, %arg19: memref<125x16xf32, #tpu.memory_space<vmem>>, %arg20: memref<125x16xf32, #tpu.memory_space<vmem>>, %arg21: memref<10240x64xf32, #tpu.memory_space<vmem_shared>>, %arg22: memref<10240x16xf32, #tpu.memory_space<vmem_shared>>, %arg23: memref<!tpu.dma_semaphore, #tpu.memory_space<semaphore_mem>>, %arg24: memref<!tpu.dma_semaphore, #tpu.memory_space<semaphore_mem>>, %arg25: memref<!tpu.dma_semaphore, #tpu.memory_space<semaphore_mem>>, %arg26: memref<!tpu.dma_semaphore, #tpu.memory_space<semaphore_mem>>, %arg27: memref<!tpu.dma_semaphore, #tpu.memory_space<semaphore_mem>>, %arg28: memref<!tpu.dma_semaphore, #tpu.memory_space<semaphore_mem>>, %arg29: memref<!tpu.dma_semaphore, #tpu.memory_space<semaphore_mem>>, %arg30: memref<!tpu.dma_semaphore, #tpu.memory_space<semaphore_mem>>, %arg31: memref<!tpu.dma_semaphore, #tpu.memory_space<semaphore_mem>>) attributes {dimension_semantics = [#tpu.dimension_semantics<core_parallel>, #tpu.dimension_semantics<subcore_parallel>], iteration_bounds = array<i64: 2, 16>, scalar_prefetch = 0 : i64, scratch_operands = 20 : i64, tpu.core_type = #tpu.core_type<sc_vector_subcore>, window_params = [{transform_indices = #map}, {transform_indices = #map}, {transform_indices = #map}, {transform_indices = #map1}, {transform_indices = #map1}, {transform_indices = #map1}, {transform_indices = #map1}, {transform_indices = #map}, {transform_indices = #map1}, {transform_indices = #map1}]} {
    %mul3A = arith.constant 640 : i32
    %mul3A_0 = arith.muli %arg1, %mul3A : i32
    "tpu.region"() ({
      %run_scoped3A = tpu.sem_alloc : memref<!tpu.dma_semaphore, #tpu.memory_space<semaphore_mem>>
      %dma_start3A_354 = arith.constant 0 : i32
      %dma_start3A_355 = tpu.memref_slice %arg21[%mul3A_0, %dma_start3A_354] : memref<10240x64xf32, #tpu.memory_space<vmem_shared>> -> memref<640x64xf32, #tpu.memory_space<vmem_shared>>
      tpu.enqueue_dma source(%arg6 : memref<640x64xf32, #tpu.memory_space<hbm>>) target(%dma_start3A_355 : memref<640x64xf32, #tpu.memory_space<vmem_shared>>) target_semaphore(%run_scoped3A : memref<!tpu.dma_semaphore, #tpu.memory_space<semaphore_mem>>)
      %dma_wait3A_356 = arith.constant 0 : i32
      %dma_wait3A_357 = tpu.memref_slice %arg21[%mul3A_0, %dma_wait3A_356] : memref<10240x64xf32, #tpu.memory_space<vmem_shared>> -> memref<640x64xf32, #tpu.memory_space<vmem_shared>>
      tpu.wait_dma2 semaphore(%run_scoped3A : memref<!tpu.dma_semaphore, #tpu.memory_space<semaphore_mem>>) src(%arg6 : memref<640x64xf32, #tpu.memory_space<hbm>>) dst(%dma_wait3A_357 : memref<640x64xf32, #tpu.memory_space<vmem_shared>>)
      tpu.yield
    }) : () -> ()
    "tpu.region"() ({
      %run_scoped3A = tpu.sem_alloc : memref<!tpu.dma_semaphore, #tpu.memory_space<semaphore_mem>>
      %dma_start3A_354 = arith.constant 0 : i32
      %dma_start3A_355 = tpu.memref_slice %arg22[%mul3A_0, %dma_start3A_354] : memref<10240x16xf32, #tpu.memory_space<vmem_shared>> -> memref<640x16xf32, #tpu.memory_space<vmem_shared>>
      tpu.enqueue_dma source(%arg7 : memref<640x16xf32, #tpu.memory_space<hbm>>) target(%dma_start3A_355 : memref<640x16xf32, #tpu.memory_space<vmem_shared>>) target_semaphore(%run_scoped3A : memref<!tpu.dma_semaphore, #tpu.memory_space<semaphore_mem>>)
      %dma_wait3A_356 = arith.constant 0 : i32
      %dma_wait3A_357 = tpu.memref_slice %arg22[%mul3A_0, %dma_wait3A_356] : memref<10240x16xf32, #tpu.memory_space<vmem_shared>> -> memref<640x16xf32, #tpu.memory_space<vmem_shared>>
      tpu.wait_dma2 semaphore(%run_scoped3A : memref<!tpu.dma_semaphore, #tpu.memory_space<semaphore_mem>>) src(%arg7 : memref<640x16xf32, #tpu.memory_space<hbm>>) dst(%dma_wait3A_357 : memref<640x16xf32, #tpu.memory_space<vmem_shared>>)
      tpu.yield
    }) : () -> ()
    %eq3A = arith.constant 1 : i32
    %eq3A_1 = arith.cmpi eq, %arg0, %eq3A : i32
    %convert_element_type3A = arith.extui %eq3A_1 : i1 to i32
    %cond3A = arith.constant 0 : i32
    %cond3A_2 = arith.cmpi ne, %convert_element_type3A, %cond3A : i32
    scf.if %cond3A_2 {
      "tpu.region"() ({
        %run_scoped3A = tpu.sem_alloc : memref<!tpu.dma_semaphore, #tpu.memory_space<semaphore_mem>>
        tpu.enqueue_dma source(%arg8 : memref<125x16xf32, #tpu.memory_space<hbm>>) target(%arg20 : memref<125x16xf32, #tpu.memory_space<vmem>>) target_semaphore(%run_scoped3A : memref<!tpu.dma_semaphore, #tpu.memory_space<semaphore_mem>>)
        tpu.wait_dma2 semaphore(%run_scoped3A : memref<!tpu.dma_semaphore, #tpu.memory_space<semaphore_mem>>) src(%arg8 : memref<125x16xf32, #tpu.memory_space<hbm>>) dst(%arg20 : memref<125x16xf32, #tpu.memory_space<vmem>>)
        tpu.yield
      }) : () -> ()
    } else {
    }
    "tpu.region"() ({
      %run_scoped3A = tpu.sem_alloc : memref<!tpu.dma_semaphore, #tpu.memory_space<semaphore_mem>>
      %dma_start3A_354 = arith.constant 0 : i32
      %dma_start3A_355 = arith.constant 0 : i32
      %dma_start3A_356 = tpu.memref_slice %arg2[%arg1, %dma_start3A_354, %dma_start3A_355] : memref<16x160x125xi32, #tpu.memory_space<hbm>> -> memref<1x160x125xi32, #tpu.memory_space<hbm>>
      %dma_start3A_357 = tpu.memref_squeeze %dma_start3A_356 : memref<1x160x125xi32, #tpu.memory_space<hbm>> -> memref<160x125xi32, #tpu.memory_space<hbm>>
      %dma_start3A_358 = arith.constant 0 : i32
      %dma_start3A_359 = arith.constant 0 : i32
      %dma_start3A_360 = tpu.memref_slice %arg2[%arg1, %dma_start3A_358, %dma_start3A_359] : memref<16x160x125xi32, #tpu.memory_space<hbm>> -> memref<1x160x125xi32, #tpu.memory_space<hbm>>
      %dma_start3A_361 = tpu.memref_squeeze %dma_start3A_360 : memref<1x160x125xi32, #tpu.memory_space<hbm>> -> memref<160x125xi32, #tpu.memory_space<hbm>>
      tpu.enqueue_dma source(%dma_start3A_361 : memref<160x125xi32, #tpu.memory_space<hbm>>) target(%arg12 : memref<160x125xi32, #tpu.memory_space<vmem>>) target_semaphore(%run_scoped3A : memref<!tpu.dma_semaphore, #tpu.memory_space<semaphore_mem>>)
      %dma_wait3A_362 = arith.constant 0 : i32
      %dma_wait3A_363 = arith.constant 0 : i32
      %dma_wait3A_364 = tpu.memref_slice %arg2[%arg1, %dma_wait3A_362, %dma_wait3A_363] : memref<16x160x125xi32, #tpu.memory_space<hbm>> -> memref<1x160x125xi32, #tpu.memory_space<hbm>>
      %dma_wait3A_365 = tpu.memref_squeeze %dma_wait3A_364 : memref<1x160x125xi32, #tpu.memory_space<hbm>> -> memref<160x125xi32, #tpu.memory_space<hbm>>
      %dma_wait3A_366 = arith.constant 0 : i32
      %dma_wait3A_367 = arith.constant 0 : i32
      %dma_wait3A_368 = tpu.memref_slice %arg2[%arg1, %dma_wait3A_366, %dma_wait3A_367] : memref<16x160x125xi32, #tpu.memory_space<hbm>> -> memref<1x160x125xi32, #tpu.memory_space<hbm>>
      %dma_wait3A_369 = tpu.memref_squeeze %dma_wait3A_368 : memref<1x160x125xi32, #tpu.memory_space<hbm>> -> memref<160x125xi32, #tpu.memory_space<hbm>>
      tpu.wait_dma2 semaphore(%run_scoped3A : memref<!tpu.dma_semaphore, #tpu.memory_space<semaphore_mem>>) src(%dma_wait3A_369 : memref<160x125xi32, #tpu.memory_space<hbm>>) dst(%arg12 : memref<160x125xi32, #tpu.memory_space<vmem>>)
      tpu.yield
    }) : () -> ()
    "tpu.region"() ({
      %run_scoped3A = tpu.sem_alloc : memref<!tpu.dma_semaphore, #tpu.memory_space<semaphore_mem>>
      %dma_start3A_354 = arith.constant 0 : i32
      %dma_start3A_355 = arith.constant 0 : i32
      %dma_start3A_356 = tpu.memref_slice %arg3[%arg1, %dma_start3A_354, %dma_start3A_355] : memref<16x160x125xi32, #tpu.memory_space<hbm>> -> memref<1x160x125xi32, #tpu.memory_space<hbm>>
      %dma_start3A_357 = tpu.memref_squeeze %dma_start3A_356 : memref<1x160x125xi32, #tpu.memory_space<hbm>> -> memref<160x125xi32, #tpu.memory_space<hbm>>
      %dma_start3A_358 = arith.constant 0 : i32
      %dma_start3A_359 = arith.constant 0 : i32
      %dma_start3A_360 = tpu.memref_slice %arg3[%arg1, %dma_start3A_358, %dma_start3A_359] : memref<16x160x125xi32, #tpu.memory_space<hbm>> -> memref<1x160x125xi32, #tpu.memory_space<hbm>>
      %dma_start3A_361 = tpu.memref_squeeze %dma_start3A_360 : memref<1x160x125xi32, #tpu.memory_space<hbm>> -> memref<160x125xi32, #tpu.memory_space<hbm>>
      tpu.enqueue_dma source(%dma_start3A_361 : memref<160x125xi32, #tpu.memory_space<hbm>>) target(%arg13 : memref<160x125xi32, #tpu.memory_space<vmem>>) target_semaphore(%run_scoped3A : memref<!tpu.dma_semaphore, #tpu.memory_space<semaphore_mem>>)
      %dma_wait3A_362 = arith.constant 0 : i32
      %dma_wait3A_363 = arith.constant 0 : i32
      %dma_wait3A_364 = tpu.memref_slice %arg3[%arg1, %dma_wait3A_362, %dma_wait3A_363] : memref<16x160x125xi32, #tpu.memory_space<hbm>> -> memref<1x160x125xi32, #tpu.memory_space<hbm>>
      %dma_wait3A_365 = tpu.memref_squeeze %dma_wait3A_364 : memref<1x160x125xi32, #tpu.memory_space<hbm>> -> memref<160x125xi32, #tpu.memory_space<hbm>>
      %dma_wait3A_366 = arith.constant 0 : i32
      %dma_wait3A_367 = arith.constant 0 : i32
      %dma_wait3A_368 = tpu.memref_slice %arg3[%arg1, %dma_wait3A_366, %dma_wait3A_367] : memref<16x160x125xi32, #tpu.memory_space<hbm>> -> memref<1x160x125xi32, #tpu.memory_space<hbm>>
      %dma_wait3A_369 = tpu.memref_squeeze %dma_wait3A_368 : memref<1x160x125xi32, #tpu.memory_space<hbm>> -> memref<160x125xi32, #tpu.memory_space<hbm>>
      tpu.wait_dma2 semaphore(%run_scoped3A : memref<!tpu.dma_semaphore, #tpu.memory_space<semaphore_mem>>) src(%dma_wait3A_369 : memref<160x125xi32, #tpu.memory_space<hbm>>) dst(%arg13 : memref<160x125xi32, #tpu.memory_space<vmem>>)
      tpu.yield
    }) : () -> ()
    %barrier3A = arith.constant 0 : index
    tpu.barrier barrier_id(%barrier3A)
    %mul3A_3 = arith.constant 20000 : i32
    %mul3A_4 = arith.muli %arg1, %mul3A_3 : i32
    %dma_start3A = arith.constant 0 : i32
    %dma_start3A_5 = arith.constant 0 : i32
    %dma_start3A_6 = tpu.memref_slice %arg12[%dma_start3A, %dma_start3A_5] : memref<160x125xi32, #tpu.memory_space<vmem>> -> memref<1x125xi32, #tpu.memory_space<vmem>>
    %dma_start3A_7 = tpu.memref_squeeze %dma_start3A_6 : memref<1x125xi32, #tpu.memory_space<vmem>> -> memref<125xi32, #tpu.memory_space<vmem>>
    %dma_start3A_8 = arith.constant 0 : i32
    %dma_start3A_9 = arith.constant 0 : i32
    %dma_start3A_10 = tpu.memref_slice %arg4[%arg0, %dma_start3A_8, %dma_start3A_9] : memref<2x10000x64xf32, #tpu.memory_space<hbm>> -> memref<1x10000x64xf32, #tpu.memory_space<hbm>>
    %dma_start3A_11 = tpu.memref_squeeze %dma_start3A_10 : memref<1x10000x64xf32, #tpu.memory_space<hbm>> -> memref<10000x64xf32, #tpu.memory_space<hbm>>
    %dma_start3A_12 = arith.constant 0 : i32
    %dma_start3A_13 = arith.constant 0 : i32
    %dma_start3A_14 = tpu.memref_slice %dma_start3A_11[%dma_start3A_12, %dma_start3A_13] : memref<10000x64xf32, #tpu.memory_space<hbm>> -> memref<10000x64xf32, #tpu.memory_space<hbm>>
    tpu.enqueue_indirect_dma source(%dma_start3A_14 : memref<10000x64xf32, #tpu.memory_space<hbm>>) target(%arg14 : memref<125x64xf32, #tpu.memory_space<vmem>>) offsets(%dma_start3A_7 : memref<125xi32, #tpu.memory_space<vmem>>) semaphore(%arg23 : memref<!tpu.dma_semaphore, #tpu.memory_space<semaphore_mem>>)
    %eq3A_15 = arith.constant 0 : i32
    %eq3A_16 = arith.cmpi eq, %arg0, %eq3A_15 : i32
    %convert_element_type3A_17 = arith.extui %eq3A_16 : i1 to i32
    %cond3A_18 = arith.constant 0 : i32
    %cond3A_19 = arith.cmpi ne, %convert_element_type3A_17, %cond3A_18 : i32
    scf.if %cond3A_19 {
      %add3A = arith.constant 0 : i32
      %add3A_354 = arith.addi %mul3A_4, %add3A : i32
      %dma_start3A_355 = arith.constant 0 : i32
      %dma_start3A_356 = tpu.memref_slice %arg5[%add3A_354, %dma_start3A_355] : memref<320000x16xf32, #tpu.memory_space<hbm>> -> memref<125x16xf32, #tpu.memory_space<hbm>>
      %dma_start3A_357 = arith.constant 0 : i32
      %dma_start3A_358 = tpu.memref_slice %arg5[%add3A_354, %dma_start3A_357] : memref<320000x16xf32, #tpu.memory_space<hbm>> -> memref<125x16xf32, #tpu.memory_space<hbm>>
      tpu.enqueue_dma source(%dma_start3A_358 : memref<125x16xf32, #tpu.memory_space<hbm>>) target(%arg17 : memref<125x16xf32, #tpu.memory_space<vmem>>) target_semaphore(%arg26 : memref<!tpu.dma_semaphore, #tpu.memory_space<semaphore_mem>>)
    } else {
    }
    %dma_start3A_20 = arith.constant 1 : i32
    %dma_start3A_21 = arith.constant 0 : i32
    %dma_start3A_22 = tpu.memref_slice %arg12[%dma_start3A_20, %dma_start3A_21] : memref<160x125xi32, #tpu.memory_space<vmem>> -> memref<1x125xi32, #tpu.memory_space<vmem>>
    %dma_start3A_23 = tpu.memref_squeeze %dma_start3A_22 : memref<1x125xi32, #tpu.memory_space<vmem>> -> memref<125xi32, #tpu.memory_space<vmem>>
    %dma_start3A_24 = arith.constant 0 : i32
    %dma_start3A_25 = arith.constant 0 : i32
    %dma_start3A_26 = tpu.memref_slice %arg4[%arg0, %dma_start3A_24, %dma_start3A_25] : memref<2x10000x64xf32, #tpu.memory_space<hbm>> -> memref<1x10000x64xf32, #tpu.memory_space<hbm>>
    %dma_start3A_27 = tpu.memref_squeeze %dma_start3A_26 : memref<1x10000x64xf32, #tpu.memory_space<hbm>> -> memref<10000x64xf32, #tpu.memory_space<hbm>>
    %dma_start3A_28 = arith.constant 0 : i32
    %dma_start3A_29 = arith.constant 0 : i32
    %dma_start3A_30 = tpu.memref_slice %dma_start3A_27[%dma_start3A_28, %dma_start3A_29] : memref<10000x64xf32, #tpu.memory_space<hbm>> -> memref<10000x64xf32, #tpu.memory_space<hbm>>
    tpu.enqueue_indirect_dma source(%dma_start3A_30 : memref<10000x64xf32, #tpu.memory_space<hbm>>) target(%arg15 : memref<125x64xf32, #tpu.memory_space<vmem>>) offsets(%dma_start3A_23 : memref<125xi32, #tpu.memory_space<vmem>>) semaphore(%arg24 : memref<!tpu.dma_semaphore, #tpu.memory_space<semaphore_mem>>)
    %eq3A_31 = arith.constant 0 : i32
    %eq3A_32 = arith.cmpi eq, %arg0, %eq3A_31 : i32
    %convert_element_type3A_33 = arith.extui %eq3A_32 : i1 to i32
    %cond3A_34 = arith.constant 0 : i32
    %cond3A_35 = arith.cmpi ne, %convert_element_type3A_33, %cond3A_34 : i32
    scf.if %cond3A_35 {
      %add3A = arith.constant 125 : i32
      %add3A_354 = arith.addi %mul3A_4, %add3A : i32
      %dma_start3A_355 = arith.constant 0 : i32
      %dma_start3A_356 = tpu.memref_slice %arg5[%add3A_354, %dma_start3A_355] : memref<320000x16xf32, #tpu.memory_space<hbm>> -> memref<125x16xf32, #tpu.memory_space<hbm>>
      %dma_start3A_357 = arith.constant 0 : i32
      %dma_start3A_358 = tpu.memref_slice %arg5[%add3A_354, %dma_start3A_357] : memref<320000x16xf32, #tpu.memory_space<hbm>> -> memref<125x16xf32, #tpu.memory_space<hbm>>
      tpu.enqueue_dma source(%dma_start3A_358 : memref<125x16xf32, #tpu.memory_space<hbm>>) target(%arg18 : memref<125x16xf32, #tpu.memory_space<vmem>>) target_semaphore(%arg27 : memref<!tpu.dma_semaphore, #tpu.memory_space<semaphore_mem>>)
    } else {
    }
    %dma_wait3A = arith.constant 0 : i32
    %dma_wait3A_36 = arith.constant 0 : i32
    %dma_wait3A_37 = tpu.memref_slice %arg12[%dma_wait3A, %dma_wait3A_36] : memref<160x125xi32, #tpu.memory_space<vmem>> -> memref<1x125xi32, #tpu.memory_space<vmem>>
    %dma_wait3A_38 = tpu.memref_squeeze %dma_wait3A_37 : memref<1x125xi32, #tpu.memory_space<vmem>> -> memref<125xi32, #tpu.memory_space<vmem>>
    %dma_wait3A_39 = arith.constant 0 : i32
    %dma_wait3A_40 = arith.constant 0 : i32
    %dma_wait3A_41 = tpu.memref_slice %arg4[%arg0, %dma_wait3A_39, %dma_wait3A_40] : memref<2x10000x64xf32, #tpu.memory_space<hbm>> -> memref<1x10000x64xf32, #tpu.memory_space<hbm>>
    %dma_wait3A_42 = tpu.memref_squeeze %dma_wait3A_41 : memref<1x10000x64xf32, #tpu.memory_space<hbm>> -> memref<10000x64xf32, #tpu.memory_space<hbm>>
    %dma_wait3A_43 = arith.constant 0 : i32
    %dma_wait3A_44 = arith.constant 0 : i32
    %dma_wait3A_45 = tpu.memref_slice %dma_wait3A_42[%dma_wait3A_43, %dma_wait3A_44] : memref<10000x64xf32, #tpu.memory_space<hbm>> -> memref<10000x64xf32, #tpu.memory_space<hbm>>
    tpu.wait_indirect_dma semaphore(%arg23 : memref<!tpu.dma_semaphore, #tpu.memory_space<semaphore_mem>>) src(%dma_wait3A_45 : memref<10000x64xf32, #tpu.memory_space<hbm>>) dst(%arg14 : memref<125x64xf32, #tpu.memory_space<vmem>>)
    %eq3A_46 = arith.constant 0 : i32
    %eq3A_47 = arith.cmpi eq, %arg0, %eq3A_46 : i32
    %convert_element_type3A_48 = arith.extui %eq3A_47 : i1 to i32
    %cond3A_49 = arith.constant 0 : i32
    %cond3A_50 = arith.cmpi ne, %convert_element_type3A_48, %cond3A_49 : i32
    scf.if %cond3A_50 {
      %dma_wait3A_354 = arith.constant 0 : i32
      %dma_wait3A_355 = arith.constant 0 : i32
      %dma_wait3A_356 = tpu.memref_slice %arg5[%dma_wait3A_354, %dma_wait3A_355] : memref<320000x16xf32, #tpu.memory_space<hbm>> -> memref<125x16xf32, #tpu.memory_space<hbm>>
      %dma_wait3A_357 = arith.constant 0 : i32
      %dma_wait3A_358 = arith.constant 0 : i32
      %dma_wait3A_359 = tpu.memref_slice %arg5[%dma_wait3A_357, %dma_wait3A_358] : memref<320000x16xf32, #tpu.memory_space<hbm>> -> memref<125x16xf32, #tpu.memory_space<hbm>>
      tpu.wait_dma2 semaphore(%arg26 : memref<!tpu.dma_semaphore, #tpu.memory_space<semaphore_mem>>) src(%dma_wait3A_359 : memref<125x16xf32, #tpu.memory_space<hbm>>) dst(%arg17 : memref<125x16xf32, #tpu.memory_space<vmem>>)
    } else {
    }
    %dma_start3A_51 = arith.constant 0 : i32
    %dma_start3A_52 = arith.constant 0 : i32
    %dma_start3A_53 = tpu.memref_slice %arg13[%dma_start3A_51, %dma_start3A_52] : memref<160x125xi32, #tpu.memory_space<vmem>> -> memref<1x125xi32, #tpu.memory_space<vmem>>
    %dma_start3A_54 = tpu.memref_squeeze %dma_start3A_53 : memref<1x125xi32, #tpu.memory_space<vmem>> -> memref<125xi32, #tpu.memory_space<vmem>>
    %dma_start3A_55 = arith.constant 0 : i32
    %dma_start3A_56 = arith.constant 0 : i32
    %dma_start3A_57 = tpu.memref_slice %arg21[%dma_start3A_55, %dma_start3A_56] : memref<10240x64xf32, #tpu.memory_space<vmem_shared>> -> memref<10240x64xf32, #tpu.memory_space<vmem_shared>>
    tpu.enqueue_indirect_dma source(%arg14 : memref<125x64xf32, #tpu.memory_space<vmem>>) target(%dma_start3A_57 : memref<10240x64xf32, #tpu.memory_space<vmem_shared>>) offsets(%dma_start3A_54 : memref<125xi32, #tpu.memory_space<vmem>>) semaphore(%arg29 : memref<!tpu.dma_semaphore, #tpu.memory_space<semaphore_mem>>) {add = true}
    %eq3A_58 = arith.constant 0 : i32
    %eq3A_59 = arith.cmpi eq, %arg0, %eq3A_58 : i32
    %convert_element_type3A_60 = arith.extui %eq3A_59 : i1 to i32
    %cond3A_61 = arith.constant 0 : i32
    %cond3A_62 = arith.cmpi ne, %convert_element_type3A_60, %cond3A_61 : i32
    scf.if %cond3A_62 {
      %dma_start3A_354 = arith.constant 0 : i32
      %dma_start3A_355 = arith.constant 0 : i32
      %dma_start3A_356 = tpu.memref_slice %arg13[%dma_start3A_354, %dma_start3A_355] : memref<160x125xi32, #tpu.memory_space<vmem>> -> memref<1x125xi32, #tpu.memory_space<vmem>>
      %dma_start3A_357 = tpu.memref_squeeze %dma_start3A_356 : memref<1x125xi32, #tpu.memory_space<vmem>> -> memref<125xi32, #tpu.memory_space<vmem>>
      %dma_start3A_358 = arith.constant 0 : i32
      %dma_start3A_359 = arith.constant 0 : i32
      %dma_start3A_360 = tpu.memref_slice %arg22[%dma_start3A_358, %dma_start3A_359] : memref<10240x16xf32, #tpu.memory_space<vmem_shared>> -> memref<10240x16xf32, #tpu.memory_space<vmem_shared>>
      tpu.enqueue_indirect_dma source(%arg17 : memref<125x16xf32, #tpu.memory_space<vmem>>) target(%dma_start3A_360 : memref<10240x16xf32, #tpu.memory_space<vmem_shared>>) offsets(%dma_start3A_357 : memref<125xi32, #tpu.memory_space<vmem>>) semaphore(%arg29 : memref<!tpu.dma_semaphore, #tpu.memory_space<semaphore_mem>>) {add = true}
    } else {
    }
    %eq3A_63 = arith.constant 1 : i32
    %eq3A_64 = arith.cmpi eq, %arg0, %eq3A_63 : i32
    %convert_element_type3A_65 = arith.extui %eq3A_64 : i1 to i32
    %cond3A_66 = arith.constant 0 : i32
    %cond3A_67 = arith.cmpi ne, %convert_element_type3A_65, %cond3A_66 : i32
    scf.if %cond3A_67 {
      %dma_start3A_354 = arith.constant 0 : i32
      %dma_start3A_355 = arith.constant 0 : i32
      %dma_start3A_356 = tpu.memref_slice %arg13[%dma_start3A_354, %dma_start3A_355] : memref<160x125xi32, #tpu.memory_space<vmem>> -> memref<1x125xi32, #tpu.memory_space<vmem>>
      %dma_start3A_357 = tpu.memref_squeeze %dma_start3A_356 : memref<1x125xi32, #tpu.memory_space<vmem>> -> memref<125xi32, #tpu.memory_space<vmem>>
      %dma_start3A_358 = arith.constant 0 : i32
      %dma_start3A_359 = arith.constant 0 : i32
      %dma_start3A_360 = tpu.memref_slice %arg22[%dma_start3A_358, %dma_start3A_359] : memref<10240x16xf32, #tpu.memory_space<vmem_shared>> -> memref<10240x16xf32, #tpu.memory_space<vmem_shared>>
      tpu.enqueue_indirect_dma source(%arg20 : memref<125x16xf32, #tpu.memory_space<vmem>>) target(%dma_start3A_360 : memref<10240x16xf32, #tpu.memory_space<vmem_shared>>) offsets(%dma_start3A_357 : memref<125xi32, #tpu.memory_space<vmem>>) semaphore(%arg29 : memref<!tpu.dma_semaphore, #tpu.memory_space<semaphore_mem>>) {add = true}
    } else {
    }
    %min3A = arith.constant 2 : i32
    %min3A_68 = arith.constant 159 : i32
    %min3A_69 = arith.minsi %min3A, %min3A_68 : i32
    %dma_start3A_70 = arith.constant 0 : i32
    %dma_start3A_71 = tpu.memref_slice %arg12[%min3A_69, %dma_start3A_70] : memref<160x125xi32, #tpu.memory_space<vmem>> -> memref<1x125xi32, #tpu.memory_space<vmem>>
    %dma_start3A_72 = tpu.memref_squeeze %dma_start3A_71 : memref<1x125xi32, #tpu.memory_space<vmem>> -> memref<125xi32, #tpu.memory_space<vmem>>
    %dma_start3A_73 = arith.constant 0 : i32
    %dma_start3A_74 = arith.constant 0 : i32
    %dma_start3A_75 = tpu.memref_slice %arg4[%arg0, %dma_start3A_73, %dma_start3A_74] : memref<2x10000x64xf32, #tpu.memory_space<hbm>> -> memref<1x10000x64xf32, #tpu.memory_space<hbm>>
    %dma_start3A_76 = tpu.memref_squeeze %dma_start3A_75 : memref<1x10000x64xf32, #tpu.memory_space<hbm>> -> memref<10000x64xf32, #tpu.memory_space<hbm>>
    %dma_start3A_77 = arith.constant 0 : i32
    %dma_start3A_78 = arith.constant 0 : i32
    %dma_start3A_79 = tpu.memref_slice %dma_start3A_76[%dma_start3A_77, %dma_start3A_78] : memref<10000x64xf32, #tpu.memory_space<hbm>> -> memref<10000x64xf32, #tpu.memory_space<hbm>>
    tpu.enqueue_indirect_dma source(%dma_start3A_79 : memref<10000x64xf32, #tpu.memory_space<hbm>>) target(%arg16 : memref<125x64xf32, #tpu.memory_space<vmem>>) offsets(%dma_start3A_72 : memref<125xi32, #tpu.memory_space<vmem>>) semaphore(%arg25 : memref<!tpu.dma_semaphore, #tpu.memory_space<semaphore_mem>>)
    %eq3A_80 = arith.constant 0 : i32
    %eq3A_81 = arith.cmpi eq, %arg0, %eq3A_80 : i32
    %convert_element_type3A_82 = arith.extui %eq3A_81 : i1 to i32
    %cond3A_83 = arith.constant 0 : i32
    %cond3A_84 = arith.cmpi ne, %convert_element_type3A_82, %cond3A_83 : i32
    scf.if %cond3A_84 {
      %mul3A_354 = arith.constant 125 : i32
      %mul3A_355 = arith.muli %min3A_69, %mul3A_354 : i32
      %add3A = arith.addi %mul3A_4, %mul3A_355 : i32
      %dma_start3A_356 = arith.constant 0 : i32
      %dma_start3A_357 = tpu.memref_slice %arg5[%add3A, %dma_start3A_356] : memref<320000x16xf32, #tpu.memory_space<hbm>> -> memref<125x16xf32, #tpu.memory_space<hbm>>
      %dma_start3A_358 = arith.constant 0 : i32
      %dma_start3A_359 = tpu.memref_slice %arg5[%add3A, %dma_start3A_358] : memref<320000x16xf32, #tpu.memory_space<hbm>> -> memref<125x16xf32, #tpu.memory_space<hbm>>
      tpu.enqueue_dma source(%dma_start3A_359 : memref<125x16xf32, #tpu.memory_space<hbm>>) target(%arg19 : memref<125x16xf32, #tpu.memory_space<vmem>>) target_semaphore(%arg28 : memref<!tpu.dma_semaphore, #tpu.memory_space<semaphore_mem>>)
    } else {
    }
    %dma_wait3A_85 = arith.constant 0 : i32
    %dma_wait3A_86 = arith.constant 0 : i32
    %dma_wait3A_87 = tpu.memref_slice %arg12[%dma_wait3A_85, %dma_wait3A_86] : memref<160x125xi32, #tpu.memory_space<vmem>> -> memref<1x125xi32, #tpu.memory_space<vmem>>
    %dma_wait3A_88 = tpu.memref_squeeze %dma_wait3A_87 : memref<1x125xi32, #tpu.memory_space<vmem>> -> memref<125xi32, #tpu.memory_space<vmem>>
    %dma_wait3A_89 = arith.constant 0 : i32
    %dma_wait3A_90 = arith.constant 0 : i32
    %dma_wait3A_91 = tpu.memref_slice %arg4[%arg0, %dma_wait3A_89, %dma_wait3A_90] : memref<2x10000x64xf32, #tpu.memory_space<hbm>> -> memref<1x10000x64xf32, #tpu.memory_space<hbm>>
    %dma_wait3A_92 = tpu.memref_squeeze %dma_wait3A_91 : memref<1x10000x64xf32, #tpu.memory_space<hbm>> -> memref<10000x64xf32, #tpu.memory_space<hbm>>
    %dma_wait3A_93 = arith.constant 0 : i32
    %dma_wait3A_94 = arith.constant 0 : i32
    %dma_wait3A_95 = tpu.memref_slice %dma_wait3A_92[%dma_wait3A_93, %dma_wait3A_94] : memref<10000x64xf32, #tpu.memory_space<hbm>> -> memref<10000x64xf32, #tpu.memory_space<hbm>>
    tpu.wait_indirect_dma semaphore(%arg24 : memref<!tpu.dma_semaphore, #tpu.memory_space<semaphore_mem>>) src(%dma_wait3A_95 : memref<10000x64xf32, #tpu.memory_space<hbm>>) dst(%arg15 : memref<125x64xf32, #tpu.memory_space<vmem>>)
    %eq3A_96 = arith.constant 0 : i32
    %eq3A_97 = arith.cmpi eq, %arg0, %eq3A_96 : i32
    %convert_element_type3A_98 = arith.extui %eq3A_97 : i1 to i32
    %cond3A_99 = arith.constant 0 : i32
    %cond3A_100 = arith.cmpi ne, %convert_element_type3A_98, %cond3A_99 : i32
    scf.if %cond3A_100 {
      %dma_wait3A_354 = arith.constant 0 : i32
      %dma_wait3A_355 = arith.constant 0 : i32
      %dma_wait3A_356 = tpu.memref_slice %arg5[%dma_wait3A_354, %dma_wait3A_355] : memref<320000x16xf32, #tpu.memory_space<hbm>> -> memref<125x16xf32, #tpu.memory_space<hbm>>
      %dma_wait3A_357 = arith.constant 0 : i32
      %dma_wait3A_358 = arith.constant 0 : i32
      %dma_wait3A_359 = tpu.memref_slice %arg5[%dma_wait3A_357, %dma_wait3A_358] : memref<320000x16xf32, #tpu.memory_space<hbm>> -> memref<125x16xf32, #tpu.memory_space<hbm>>
      tpu.wait_dma2 semaphore(%arg27 : memref<!tpu.dma_semaphore, #tpu.memory_space<semaphore_mem>>) src(%dma_wait3A_359 : memref<125x16xf32, #tpu.memory_space<hbm>>) dst(%arg18 : memref<125x16xf32, #tpu.memory_space<vmem>>)
    } else {
    }
    %dma_start3A_101 = arith.constant 1 : i32
    %dma_start3A_102 = arith.constant 0 : i32
    %dma_start3A_103 = tpu.memref_slice %arg13[%dma_start3A_101, %dma_start3A_102] : memref<160x125xi32, #tpu.memory_space<vmem>> -> memref<1x125xi32, #tpu.memory_space<vmem>>
    %dma_start3A_104 = tpu.memref_squeeze %dma_start3A_103 : memref<1x125xi32, #tpu.memory_space<vmem>> -> memref<125xi32, #tpu.memory_space<vmem>>
    %dma_start3A_105 = arith.constant 0 : i32
    %dma_start3A_106 = arith.constant 0 : i32
    %dma_start3A_107 = tpu.memref_slice %arg21[%dma_start3A_105, %dma_start3A_106] : memref<10240x64xf32, #tpu.memory_space<vmem_shared>> -> memref<10240x64xf32, #tpu.memory_space<vmem_shared>>
    tpu.enqueue_indirect_dma source(%arg15 : memref<125x64xf32, #tpu.memory_space<vmem>>) target(%dma_start3A_107 : memref<10240x64xf32, #tpu.memory_space<vmem_shared>>) offsets(%dma_start3A_104 : memref<125xi32, #tpu.memory_space<vmem>>) semaphore(%arg30 : memref<!tpu.dma_semaphore, #tpu.memory_space<semaphore_mem>>) {add = true}
    %eq3A_108 = arith.constant 0 : i32
    %eq3A_109 = arith.cmpi eq, %arg0, %eq3A_108 : i32
    %convert_element_type3A_110 = arith.extui %eq3A_109 : i1 to i32
    %cond3A_111 = arith.constant 0 : i32
    %cond3A_112 = arith.cmpi ne, %convert_element_type3A_110, %cond3A_111 : i32
    scf.if %cond3A_112 {
      %dma_start3A_354 = arith.constant 1 : i32
      %dma_start3A_355 = arith.constant 0 : i32
      %dma_start3A_356 = tpu.memref_slice %arg13[%dma_start3A_354, %dma_start3A_355] : memref<160x125xi32, #tpu.memory_space<vmem>> -> memref<1x125xi32, #tpu.memory_space<vmem>>
      %dma_start3A_357 = tpu.memref_squeeze %dma_start3A_356 : memref<1x125xi32, #tpu.memory_space<vmem>> -> memref<125xi32, #tpu.memory_space<vmem>>
      %dma_start3A_358 = arith.constant 0 : i32
      %dma_start3A_359 = arith.constant 0 : i32
      %dma_start3A_360 = tpu.memref_slice %arg22[%dma_start3A_358, %dma_start3A_359] : memref<10240x16xf32, #tpu.memory_space<vmem_shared>> -> memref<10240x16xf32, #tpu.memory_space<vmem_shared>>
      tpu.enqueue_indirect_dma source(%arg18 : memref<125x16xf32, #tpu.memory_space<vmem>>) target(%dma_start3A_360 : memref<10240x16xf32, #tpu.memory_space<vmem_shared>>) offsets(%dma_start3A_357 : memref<125xi32, #tpu.memory_space<vmem>>) semaphore(%arg30 : memref<!tpu.dma_semaphore, #tpu.memory_space<semaphore_mem>>) {add = true}
    } else {
    }
    %eq3A_113 = arith.constant 1 : i32
    %eq3A_114 = arith.cmpi eq, %arg0, %eq3A_113 : i32
    %convert_element_type3A_115 = arith.extui %eq3A_114 : i1 to i32
    %cond3A_116 = arith.constant 0 : i32
    %cond3A_117 = arith.cmpi ne, %convert_element_type3A_115, %cond3A_116 : i32
    scf.if %cond3A_117 {
      %dma_start3A_354 = arith.constant 1 : i32
      %dma_start3A_355 = arith.constant 0 : i32
      %dma_start3A_356 = tpu.memref_slice %arg13[%dma_start3A_354, %dma_start3A_355] : memref<160x125xi32, #tpu.memory_space<vmem>> -> memref<1x125xi32, #tpu.memory_space<vmem>>
      %dma_start3A_357 = tpu.memref_squeeze %dma_start3A_356 : memref<1x125xi32, #tpu.memory_space<vmem>> -> memref<125xi32, #tpu.memory_space<vmem>>
      %dma_start3A_358 = arith.constant 0 : i32
      %dma_start3A_359 = arith.constant 0 : i32
      %dma_start3A_360 = tpu.memref_slice %arg22[%dma_start3A_358, %dma_start3A_359] : memref<10240x16xf32, #tpu.memory_space<vmem_shared>> -> memref<10240x16xf32, #tpu.memory_space<vmem_shared>>
      tpu.enqueue_indirect_dma source(%arg20 : memref<125x16xf32, #tpu.memory_space<vmem>>) target(%dma_start3A_360 : memref<10240x16xf32, #tpu.memory_space<vmem_shared>>) offsets(%dma_start3A_357 : memref<125xi32, #tpu.memory_space<vmem>>) semaphore(%arg30 : memref<!tpu.dma_semaphore, #tpu.memory_space<semaphore_mem>>) {add = true}
    } else {
    }
    %dma_wait3A_118 = arith.constant 0 : i32
    %dma_wait3A_119 = arith.constant 0 : i32
    %dma_wait3A_120 = tpu.memref_slice %arg13[%dma_wait3A_118, %dma_wait3A_119] : memref<160x125xi32, #tpu.memory_space<vmem>> -> memref<1x125xi32, #tpu.memory_space<vmem>>
    %dma_wait3A_121 = tpu.memref_squeeze %dma_wait3A_120 : memref<1x125xi32, #tpu.memory_space<vmem>> -> memref<125xi32, #tpu.memory_space<vmem>>
    %dma_wait3A_122 = arith.constant 0 : i32
    %dma_wait3A_123 = arith.constant 0 : i32
    %dma_wait3A_124 = tpu.memref_slice %arg21[%dma_wait3A_122, %dma_wait3A_123] : memref<10240x64xf32, #tpu.memory_space<vmem_shared>> -> memref<10240x64xf32, #tpu.memory_space<vmem_shared>>
    tpu.wait_indirect_dma semaphore(%arg29 : memref<!tpu.dma_semaphore, #tpu.memory_space<semaphore_mem>>) src(%arg14 : memref<125x64xf32, #tpu.memory_space<vmem>>) dst(%dma_wait3A_124 : memref<10240x64xf32, #tpu.memory_space<vmem_shared>>)
    %eq3A_125 = arith.constant 0 : i32
    %eq3A_126 = arith.cmpi eq, %arg0, %eq3A_125 : i32
    %convert_element_type3A_127 = arith.extui %eq3A_126 : i1 to i32
    %cond3A_128 = arith.constant 0 : i32
    %cond3A_129 = arith.cmpi ne, %convert_element_type3A_127, %cond3A_128 : i32
    scf.if %cond3A_129 {
      %dma_wait3A_354 = arith.constant 0 : i32
      %dma_wait3A_355 = arith.constant 0 : i32
      %dma_wait3A_356 = tpu.memref_slice %arg13[%dma_wait3A_354, %dma_wait3A_355] : memref<160x125xi32, #tpu.memory_space<vmem>> -> memref<1x125xi32, #tpu.memory_space<vmem>>
      %dma_wait3A_357 = tpu.memref_squeeze %dma_wait3A_356 : memref<1x125xi32, #tpu.memory_space<vmem>> -> memref<125xi32, #tpu.memory_space<vmem>>
      %dma_wait3A_358 = arith.constant 0 : i32
      %dma_wait3A_359 = arith.constant 0 : i32
      %dma_wait3A_360 = tpu.memref_slice %arg22[%dma_wait3A_358, %dma_wait3A_359] : memref<10240x16xf32, #tpu.memory_space<vmem_shared>> -> memref<10240x16xf32, #tpu.memory_space<vmem_shared>>
      tpu.wait_indirect_dma semaphore(%arg29 : memref<!tpu.dma_semaphore, #tpu.memory_space<semaphore_mem>>) src(%arg17 : memref<125x16xf32, #tpu.memory_space<vmem>>) dst(%dma_wait3A_360 : memref<10240x16xf32, #tpu.memory_space<vmem_shared>>)
    } else {
    }
    %eq3A_130 = arith.constant 1 : i32
    %eq3A_131 = arith.cmpi eq, %arg0, %eq3A_130 : i32
    %convert_element_type3A_132 = arith.extui %eq3A_131 : i1 to i32
    %cond3A_133 = arith.constant 0 : i32
    %cond3A_134 = arith.cmpi ne, %convert_element_type3A_132, %cond3A_133 : i32
    scf.if %cond3A_134 {
      %dma_wait3A_354 = arith.constant 0 : i32
      %dma_wait3A_355 = arith.constant 0 : i32
      %dma_wait3A_356 = tpu.memref_slice %arg13[%dma_wait3A_354, %dma_wait3A_355] : memref<160x125xi32, #tpu.memory_space<vmem>> -> memref<1x125xi32, #tpu.memory_space<vmem>>
      %dma_wait3A_357 = tpu.memref_squeeze %dma_wait3A_356 : memref<1x125xi32, #tpu.memory_space<vmem>> -> memref<125xi32, #tpu.memory_space<vmem>>
      %dma_wait3A_358 = arith.constant 0 : i32
      %dma_wait3A_359 = arith.constant 0 : i32
      %dma_wait3A_360 = tpu.memref_slice %arg22[%dma_wait3A_358, %dma_wait3A_359] : memref<10240x16xf32, #tpu.memory_space<vmem_shared>> -> memref<10240x16xf32, #tpu.memory_space<vmem_shared>>
      tpu.wait_indirect_dma semaphore(%arg29 : memref<!tpu.dma_semaphore, #tpu.memory_space<semaphore_mem>>) src(%arg20 : memref<125x16xf32, #tpu.memory_space<vmem>>) dst(%dma_wait3A_360 : memref<10240x16xf32, #tpu.memory_space<vmem_shared>>)
    } else {
    }
    %min3A_135 = arith.constant 3 : i32
    %min3A_136 = arith.constant 159 : i32
    %min3A_137 = arith.minsi %min3A_135, %min3A_136 : i32
    %dma_start3A_138 = arith.constant 0 : i32
    %dma_start3A_139 = tpu.memref_slice %arg12[%min3A_137, %dma_start3A_138] : memref<160x125xi32, #tpu.memory_space<vmem>> -> memref<1x125xi32, #tpu.memory_space<vmem>>
    %dma_start3A_140 = tpu.memref_squeeze %dma_start3A_139 : memref<1x125xi32, #tpu.memory_space<vmem>> -> memref<125xi32, #tpu.memory_space<vmem>>
    %dma_start3A_141 = arith.constant 0 : i32
    %dma_start3A_142 = arith.constant 0 : i32
    %dma_start3A_143 = tpu.memref_slice %arg4[%arg0, %dma_start3A_141, %dma_start3A_142] : memref<2x10000x64xf32, #tpu.memory_space<hbm>> -> memref<1x10000x64xf32, #tpu.memory_space<hbm>>
    %dma_start3A_144 = tpu.memref_squeeze %dma_start3A_143 : memref<1x10000x64xf32, #tpu.memory_space<hbm>> -> memref<10000x64xf32, #tpu.memory_space<hbm>>
    %dma_start3A_145 = arith.constant 0 : i32
    %dma_start3A_146 = arith.constant 0 : i32
    %dma_start3A_147 = tpu.memref_slice %dma_start3A_144[%dma_start3A_145, %dma_start3A_146] : memref<10000x64xf32, #tpu.memory_space<hbm>> -> memref<10000x64xf32, #tpu.memory_space<hbm>>
    tpu.enqueue_indirect_dma source(%dma_start3A_147 : memref<10000x64xf32, #tpu.memory_space<hbm>>) target(%arg14 : memref<125x64xf32, #tpu.memory_space<vmem>>) offsets(%dma_start3A_140 : memref<125xi32, #tpu.memory_space<vmem>>) semaphore(%arg23 : memref<!tpu.dma_semaphore, #tpu.memory_space<semaphore_mem>>)
    %eq3A_148 = arith.constant 0 : i32
    %eq3A_149 = arith.cmpi eq, %arg0, %eq3A_148 : i32
    %convert_element_type3A_150 = arith.extui %eq3A_149 : i1 to i32
    %cond3A_151 = arith.constant 0 : i32
    %cond3A_152 = arith.cmpi ne, %convert_element_type3A_150, %cond3A_151 : i32
    scf.if %cond3A_152 {
      %mul3A_354 = arith.constant 125 : i32
      %mul3A_355 = arith.muli %min3A_137, %mul3A_354 : i32
      %add3A = arith.addi %mul3A_4, %mul3A_355 : i32
      %dma_start3A_356 = arith.constant 0 : i32
      %dma_start3A_357 = tpu.memref_slice %arg5[%add3A, %dma_start3A_356] : memref<320000x16xf32, #tpu.memory_space<hbm>> -> memref<125x16xf32, #tpu.memory_space<hbm>>
      %dma_start3A_358 = arith.constant 0 : i32
      %dma_start3A_359 = tpu.memref_slice %arg5[%add3A, %dma_start3A_358] : memref<320000x16xf32, #tpu.memory_space<hbm>> -> memref<125x16xf32, #tpu.memory_space<hbm>>
      tpu.enqueue_dma source(%dma_start3A_359 : memref<125x16xf32, #tpu.memory_space<hbm>>) target(%arg17 : memref<125x16xf32, #tpu.memory_space<vmem>>) target_semaphore(%arg26 : memref<!tpu.dma_semaphore, #tpu.memory_space<semaphore_mem>>)
    } else {
    }
    %dma_wait3A_153 = arith.constant 0 : i32
    %dma_wait3A_154 = arith.constant 0 : i32
    %dma_wait3A_155 = tpu.memref_slice %arg12[%dma_wait3A_153, %dma_wait3A_154] : memref<160x125xi32, #tpu.memory_space<vmem>> -> memref<1x125xi32, #tpu.memory_space<vmem>>
    %dma_wait3A_156 = tpu.memref_squeeze %dma_wait3A_155 : memref<1x125xi32, #tpu.memory_space<vmem>> -> memref<125xi32, #tpu.memory_space<vmem>>
    %dma_wait3A_157 = arith.constant 0 : i32
    %dma_wait3A_158 = arith.constant 0 : i32
    %dma_wait3A_159 = tpu.memref_slice %arg4[%arg0, %dma_wait3A_157, %dma_wait3A_158] : memref<2x10000x64xf32, #tpu.memory_space<hbm>> -> memref<1x10000x64xf32, #tpu.memory_space<hbm>>
    %dma_wait3A_160 = tpu.memref_squeeze %dma_wait3A_159 : memref<1x10000x64xf32, #tpu.memory_space<hbm>> -> memref<10000x64xf32, #tpu.memory_space<hbm>>
    %dma_wait3A_161 = arith.constant 0 : i32
    %dma_wait3A_162 = arith.constant 0 : i32
    %dma_wait3A_163 = tpu.memref_slice %dma_wait3A_160[%dma_wait3A_161, %dma_wait3A_162] : memref<10000x64xf32, #tpu.memory_space<hbm>> -> memref<10000x64xf32, #tpu.memory_space<hbm>>
    tpu.wait_indirect_dma semaphore(%arg25 : memref<!tpu.dma_semaphore, #tpu.memory_space<semaphore_mem>>) src(%dma_wait3A_163 : memref<10000x64xf32, #tpu.memory_space<hbm>>) dst(%arg16 : memref<125x64xf32, #tpu.memory_space<vmem>>)
    %eq3A_164 = arith.constant 0 : i32
    %eq3A_165 = arith.cmpi eq, %arg0, %eq3A_164 : i32
    %convert_element_type3A_166 = arith.extui %eq3A_165 : i1 to i32
    %cond3A_167 = arith.constant 0 : i32
    %cond3A_168 = arith.cmpi ne, %convert_element_type3A_166, %cond3A_167 : i32
    scf.if %cond3A_168 {
      %dma_wait3A_354 = arith.constant 0 : i32
      %dma_wait3A_355 = arith.constant 0 : i32
      %dma_wait3A_356 = tpu.memref_slice %arg5[%dma_wait3A_354, %dma_wait3A_355] : memref<320000x16xf32, #tpu.memory_space<hbm>> -> memref<125x16xf32, #tpu.memory_space<hbm>>
      %dma_wait3A_357 = arith.constant 0 : i32
      %dma_wait3A_358 = arith.constant 0 : i32
      %dma_wait3A_359 = tpu.memref_slice %arg5[%dma_wait3A_357, %dma_wait3A_358] : memref<320000x16xf32, #tpu.memory_space<hbm>> -> memref<125x16xf32, #tpu.memory_space<hbm>>
      tpu.wait_dma2 semaphore(%arg28 : memref<!tpu.dma_semaphore, #tpu.memory_space<semaphore_mem>>) src(%dma_wait3A_359 : memref<125x16xf32, #tpu.memory_space<hbm>>) dst(%arg19 : memref<125x16xf32, #tpu.memory_space<vmem>>)
    } else {
    }
    %dma_start3A_169 = arith.constant 2 : i32
    %dma_start3A_170 = arith.constant 0 : i32
    %dma_start3A_171 = tpu.memref_slice %arg13[%dma_start3A_169, %dma_start3A_170] : memref<160x125xi32, #tpu.memory_space<vmem>> -> memref<1x125xi32, #tpu.memory_space<vmem>>
    %dma_start3A_172 = tpu.memref_squeeze %dma_start3A_171 : memref<1x125xi32, #tpu.memory_space<vmem>> -> memref<125xi32, #tpu.memory_space<vmem>>
    %dma_start3A_173 = arith.constant 0 : i32
    %dma_start3A_174 = arith.constant 0 : i32
    %dma_start3A_175 = tpu.memref_slice %arg21[%dma_start3A_173, %dma_start3A_174] : memref<10240x64xf32, #tpu.memory_space<vmem_shared>> -> memref<10240x64xf32, #tpu.memory_space<vmem_shared>>
    tpu.enqueue_indirect_dma source(%arg16 : memref<125x64xf32, #tpu.memory_space<vmem>>) target(%dma_start3A_175 : memref<10240x64xf32, #tpu.memory_space<vmem_shared>>) offsets(%dma_start3A_172 : memref<125xi32, #tpu.memory_space<vmem>>) semaphore(%arg31 : memref<!tpu.dma_semaphore, #tpu.memory_space<semaphore_mem>>) {add = true}
    %eq3A_176 = arith.constant 0 : i32
    %eq3A_177 = arith.cmpi eq, %arg0, %eq3A_176 : i32
    %convert_element_type3A_178 = arith.extui %eq3A_177 : i1 to i32
    %cond3A_179 = arith.constant 0 : i32
    %cond3A_180 = arith.cmpi ne, %convert_element_type3A_178, %cond3A_179 : i32
    scf.if %cond3A_180 {
      %dma_start3A_354 = arith.constant 2 : i32
      %dma_start3A_355 = arith.constant 0 : i32
      %dma_start3A_356 = tpu.memref_slice %arg13[%dma_start3A_354, %dma_start3A_355] : memref<160x125xi32, #tpu.memory_space<vmem>> -> memref<1x125xi32, #tpu.memory_space<vmem>>
      %dma_start3A_357 = tpu.memref_squeeze %dma_start3A_356 : memref<1x125xi32, #tpu.memory_space<vmem>> -> memref<125xi32, #tpu.memory_space<vmem>>
      %dma_start3A_358 = arith.constant 0 : i32
      %dma_start3A_359 = arith.constant 0 : i32
      %dma_start3A_360 = tpu.memref_slice %arg22[%dma_start3A_358, %dma_start3A_359] : memref<10240x16xf32, #tpu.memory_space<vmem_shared>> -> memref<10240x16xf32, #tpu.memory_space<vmem_shared>>
      tpu.enqueue_indirect_dma source(%arg19 : memref<125x16xf32, #tpu.memory_space<vmem>>) target(%dma_start3A_360 : memref<10240x16xf32, #tpu.memory_space<vmem_shared>>) offsets(%dma_start3A_357 : memref<125xi32, #tpu.memory_space<vmem>>) semaphore(%arg31 : memref<!tpu.dma_semaphore, #tpu.memory_space<semaphore_mem>>) {add = true}
    } else {
    }
    %eq3A_181 = arith.constant 1 : i32
    %eq3A_182 = arith.cmpi eq, %arg0, %eq3A_181 : i32
    %convert_element_type3A_183 = arith.extui %eq3A_182 : i1 to i32
    %cond3A_184 = arith.constant 0 : i32
    %cond3A_185 = arith.cmpi ne, %convert_element_type3A_183, %cond3A_184 : i32
    scf.if %cond3A_185 {
      %dma_start3A_354 = arith.constant 2 : i32
      %dma_start3A_355 = arith.constant 0 : i32
      %dma_start3A_356 = tpu.memref_slice %arg13[%dma_start3A_354, %dma_start3A_355] : memref<160x125xi32, #tpu.memory_space<vmem>> -> memref<1x125xi32, #tpu.memory_space<vmem>>
      %dma_start3A_357 = tpu.memref_squeeze %dma_start3A_356 : memref<1x125xi32, #tpu.memory_space<vmem>> -> memref<125xi32, #tpu.memory_space<vmem>>
      %dma_start3A_358 = arith.constant 0 : i32
      %dma_start3A_359 = arith.constant 0 : i32
      %dma_start3A_360 = tpu.memref_slice %arg22[%dma_start3A_358, %dma_start3A_359] : memref<10240x16xf32, #tpu.memory_space<vmem_shared>> -> memref<10240x16xf32, #tpu.memory_space<vmem_shared>>
      tpu.enqueue_indirect_dma source(%arg20 : memref<125x16xf32, #tpu.memory_space<vmem>>) target(%dma_start3A_360 : memref<10240x16xf32, #tpu.memory_space<vmem_shared>>) offsets(%dma_start3A_357 : memref<125xi32, #tpu.memory_space<vmem>>) semaphore(%arg31 : memref<!tpu.dma_semaphore, #tpu.memory_space<semaphore_mem>>) {add = true}
    } else {
    }
    %dma_wait3A_186 = arith.constant 0 : i32
    %dma_wait3A_187 = arith.constant 0 : i32
    %dma_wait3A_188 = tpu.memref_slice %arg13[%dma_wait3A_186, %dma_wait3A_187] : memref<160x125xi32, #tpu.memory_space<vmem>> -> memref<1x125xi32, #tpu.memory_space<vmem>>
    %dma_wait3A_189 = tpu.memref_squeeze %dma_wait3A_188 : memref<1x125xi32, #tpu.memory_space<vmem>> -> memref<125xi32, #tpu.memory_space<vmem>>
    %dma_wait3A_190 = arith.constant 0 : i32
    %dma_wait3A_191 = arith.constant 0 : i32
    %dma_wait3A_192 = tpu.memref_slice %arg21[%dma_wait3A_190, %dma_wait3A_191] : memref<10240x64xf32, #tpu.memory_space<vmem_shared>> -> memref<10240x64xf32, #tpu.memory_space<vmem_shared>>
    tpu.wait_indirect_dma semaphore(%arg30 : memref<!tpu.dma_semaphore, #tpu.memory_space<semaphore_mem>>) src(%arg15 : memref<125x64xf32, #tpu.memory_space<vmem>>) dst(%dma_wait3A_192 : memref<10240x64xf32, #tpu.memory_space<vmem_shared>>)
    %eq3A_193 = arith.constant 0 : i32
    %eq3A_194 = arith.cmpi eq, %arg0, %eq3A_193 : i32
    %convert_element_type3A_195 = arith.extui %eq3A_194 : i1 to i32
    %cond3A_196 = arith.constant 0 : i32
    %cond3A_197 = arith.cmpi ne, %convert_element_type3A_195, %cond3A_196 : i32
    scf.if %cond3A_197 {
      %dma_wait3A_354 = arith.constant 0 : i32
      %dma_wait3A_355 = arith.constant 0 : i32
      %dma_wait3A_356 = tpu.memref_slice %arg13[%dma_wait3A_354, %dma_wait3A_355] : memref<160x125xi32, #tpu.memory_space<vmem>> -> memref<1x125xi32, #tpu.memory_space<vmem>>
      %dma_wait3A_357 = tpu.memref_squeeze %dma_wait3A_356 : memref<1x125xi32, #tpu.memory_space<vmem>> -> memref<125xi32, #tpu.memory_space<vmem>>
      %dma_wait3A_358 = arith.constant 0 : i32
      %dma_wait3A_359 = arith.constant 0 : i32
      %dma_wait3A_360 = tpu.memref_slice %arg22[%dma_wait3A_358, %dma_wait3A_359] : memref<10240x16xf32, #tpu.memory_space<vmem_shared>> -> memref<10240x16xf32, #tpu.memory_space<vmem_shared>>
      tpu.wait_indirect_dma semaphore(%arg30 : memref<!tpu.dma_semaphore, #tpu.memory_space<semaphore_mem>>) src(%arg18 : memref<125x16xf32, #tpu.memory_space<vmem>>) dst(%dma_wait3A_360 : memref<10240x16xf32, #tpu.memory_space<vmem_shared>>)
    } else {
    }
    %eq3A_198 = arith.constant 1 : i32
    %eq3A_199 = arith.cmpi eq, %arg0, %eq3A_198 : i32
    %convert_element_type3A_200 = arith.extui %eq3A_199 : i1 to i32
    %cond3A_201 = arith.constant 0 : i32
    %cond3A_202 = arith.cmpi ne, %convert_element_type3A_200, %cond3A_201 : i32
    scf.if %cond3A_202 {
      %dma_wait3A_354 = arith.constant 0 : i32
      %dma_wait3A_355 = arith.constant 0 : i32
      %dma_wait3A_356 = tpu.memref_slice %arg13[%dma_wait3A_354, %dma_wait3A_355] : memref<160x125xi32, #tpu.memory_space<vmem>> -> memref<1x125xi32, #tpu.memory_space<vmem>>
      %dma_wait3A_357 = tpu.memref_squeeze %dma_wait3A_356 : memref<1x125xi32, #tpu.memory_space<vmem>> -> memref<125xi32, #tpu.memory_space<vmem>>
      %dma_wait3A_358 = arith.constant 0 : i32
      %dma_wait3A_359 = arith.constant 0 : i32
      %dma_wait3A_360 = tpu.memref_slice %arg22[%dma_wait3A_358, %dma_wait3A_359] : memref<10240x16xf32, #tpu.memory_space<vmem_shared>> -> memref<10240x16xf32, #tpu.memory_space<vmem_shared>>
      tpu.wait_indirect_dma semaphore(%arg30 : memref<!tpu.dma_semaphore, #tpu.memory_space<semaphore_mem>>) src(%arg20 : memref<125x16xf32, #tpu.memory_space<vmem>>) dst(%dma_wait3A_360 : memref<10240x16xf32, #tpu.memory_space<vmem_shared>>)
    } else {
    }
    %min3A_203 = arith.constant 4 : i32
    %min3A_204 = arith.constant 159 : i32
    %min3A_205 = arith.minsi %min3A_203, %min3A_204 : i32
    %dma_start3A_206 = arith.constant 0 : i32
    %dma_start3A_207 = tpu.memref_slice %arg12[%min3A_205, %dma_start3A_206] : memref<160x125xi32, #tpu.memory_space<vmem>> -> memref<1x125xi32, #tpu.memory_space<vmem>>
    %dma_start3A_208 = tpu.memref_squeeze %dma_start3A_207 : memref<1x125xi32, #tpu.memory_space<vmem>> -> memref<125xi32, #tpu.memory_space<vmem>>
    %dma_start3A_209 = arith.constant 0 : i32
    %dma_start3A_210 = arith.constant 0 : i32
    %dma_start3A_211 = tpu.memref_slice %arg4[%arg0, %dma_start3A_209, %dma_start3A_210] : memref<2x10000x64xf32, #tpu.memory_space<hbm>> -> memref<1x10000x64xf32, #tpu.memory_space<hbm>>
    %dma_start3A_212 = tpu.memref_squeeze %dma_start3A_211 : memref<1x10000x64xf32, #tpu.memory_space<hbm>> -> memref<10000x64xf32, #tpu.memory_space<hbm>>
    %dma_start3A_213 = arith.constant 0 : i32
    %dma_start3A_214 = arith.constant 0 : i32
    %dma_start3A_215 = tpu.memref_slice %dma_start3A_212[%dma_start3A_213, %dma_start3A_214] : memref<10000x64xf32, #tpu.memory_space<hbm>> -> memref<10000x64xf32, #tpu.memory_space<hbm>>
    tpu.enqueue_indirect_dma source(%dma_start3A_215 : memref<10000x64xf32, #tpu.memory_space<hbm>>) target(%arg15 : memref<125x64xf32, #tpu.memory_space<vmem>>) offsets(%dma_start3A_208 : memref<125xi32, #tpu.memory_space<vmem>>) semaphore(%arg24 : memref<!tpu.dma_semaphore, #tpu.memory_space<semaphore_mem>>)
    %eq3A_216 = arith.constant 0 : i32
    %eq3A_217 = arith.cmpi eq, %arg0, %eq3A_216 : i32
    %convert_element_type3A_218 = arith.extui %eq3A_217 : i1 to i32
    %cond3A_219 = arith.constant 0 : i32
    %cond3A_220 = arith.cmpi ne, %convert_element_type3A_218, %cond3A_219 : i32
    scf.if %cond3A_220 {
      %mul3A_354 = arith.constant 125 : i32
      %mul3A_355 = arith.muli %min3A_205, %mul3A_354 : i32
      %add3A = arith.addi %mul3A_4, %mul3A_355 : i32
      %dma_start3A_356 = arith.constant 0 : i32
      %dma_start3A_357 = tpu.memref_slice %arg5[%add3A, %dma_start3A_356] : memref<320000x16xf32, #tpu.memory_space<hbm>> -> memref<125x16xf32, #tpu.memory_space<hbm>>
      %dma_start3A_358 = arith.constant 0 : i32
      %dma_start3A_359 = tpu.memref_slice %arg5[%add3A, %dma_start3A_358] : memref<320000x16xf32, #tpu.memory_space<hbm>> -> memref<125x16xf32, #tpu.memory_space<hbm>>
      tpu.enqueue_dma source(%dma_start3A_359 : memref<125x16xf32, #tpu.memory_space<hbm>>) target(%arg18 : memref<125x16xf32, #tpu.memory_space<vmem>>) target_semaphore(%arg27 : memref<!tpu.dma_semaphore, #tpu.memory_space<semaphore_mem>>)
    } else {
    }
    %scan3A = arith.constant 0 : i32
    %scan3A_221 = arith.constant 1 : i32
    %scan3A_222 = arith.constant 52 : i32
    %scan3A_223 = arith.addi %scan3A_221, %scan3A_222 : i32
    %scan3A_224 = arith.constant 1 : i32
    scf.for %scan3A_354 = %scan3A_221 to %scan3A_223 step %scan3A_224  : i32 {
      %mul3A_355 = arith.constant 3 : i32
      %mul3A_356 = arith.muli %mul3A_355, %scan3A_354 : i32
      %dma_wait3A_357 = arith.constant 0 : i32
      %dma_wait3A_358 = arith.constant 0 : i32
      %dma_wait3A_359 = tpu.memref_slice %arg12[%dma_wait3A_357, %dma_wait3A_358] : memref<160x125xi32, #tpu.memory_space<vmem>> -> memref<1x125xi32, #tpu.memory_space<vmem>>
      %dma_wait3A_360 = tpu.memref_squeeze %dma_wait3A_359 : memref<1x125xi32, #tpu.memory_space<vmem>> -> memref<125xi32, #tpu.memory_space<vmem>>
      %dma_wait3A_361 = arith.constant 0 : i32
      %dma_wait3A_362 = arith.constant 0 : i32
      %dma_wait3A_363 = tpu.memref_slice %arg4[%arg0, %dma_wait3A_361, %dma_wait3A_362] : memref<2x10000x64xf32, #tpu.memory_space<hbm>> -> memref<1x10000x64xf32, #tpu.memory_space<hbm>>
      %dma_wait3A_364 = tpu.memref_squeeze %dma_wait3A_363 : memref<1x10000x64xf32, #tpu.memory_space<hbm>> -> memref<10000x64xf32, #tpu.memory_space<hbm>>
      %dma_wait3A_365 = arith.constant 0 : i32
      %dma_wait3A_366 = arith.constant 0 : i32
      %dma_wait3A_367 = tpu.memref_slice %dma_wait3A_364[%dma_wait3A_365, %dma_wait3A_366] : memref<10000x64xf32, #tpu.memory_space<hbm>> -> memref<10000x64xf32, #tpu.memory_space<hbm>>
      tpu.wait_indirect_dma semaphore(%arg23 : memref<!tpu.dma_semaphore, #tpu.memory_space<semaphore_mem>>) src(%dma_wait3A_367 : memref<10000x64xf32, #tpu.memory_space<hbm>>) dst(%arg14 : memref<125x64xf32, #tpu.memory_space<vmem>>)
      %eq3A_368 = arith.constant 0 : i32
      %eq3A_369 = arith.cmpi eq, %arg0, %eq3A_368 : i32
      %convert_element_type3A_370 = arith.extui %eq3A_369 : i1 to i32
      %cond3A_371 = arith.constant 0 : i32
      %cond3A_372 = arith.cmpi ne, %convert_element_type3A_370, %cond3A_371 : i32
      scf.if %cond3A_372 {
        %dma_wait3A_564 = arith.constant 0 : i32
        %dma_wait3A_565 = arith.constant 0 : i32
        %dma_wait3A_566 = tpu.memref_slice %arg5[%dma_wait3A_564, %dma_wait3A_565] : memref<320000x16xf32, #tpu.memory_space<hbm>> -> memref<125x16xf32, #tpu.memory_space<hbm>>
        %dma_wait3A_567 = arith.constant 0 : i32
        %dma_wait3A_568 = arith.constant 0 : i32
        %dma_wait3A_569 = tpu.memref_slice %arg5[%dma_wait3A_567, %dma_wait3A_568] : memref<320000x16xf32, #tpu.memory_space<hbm>> -> memref<125x16xf32, #tpu.memory_space<hbm>>
        tpu.wait_dma2 semaphore(%arg26 : memref<!tpu.dma_semaphore, #tpu.memory_space<semaphore_mem>>) src(%dma_wait3A_569 : memref<125x16xf32, #tpu.memory_space<hbm>>) dst(%arg17 : memref<125x16xf32, #tpu.memory_space<vmem>>)
      } else {
      }
      %dma_start3A_373 = arith.constant 0 : i32
      %dma_start3A_374 = tpu.memref_slice %arg13[%mul3A_356, %dma_start3A_373] : memref<160x125xi32, #tpu.memory_space<vmem>> -> memref<1x125xi32, #tpu.memory_space<vmem>>
      %dma_start3A_375 = tpu.memref_squeeze %dma_start3A_374 : memref<1x125xi32, #tpu.memory_space<vmem>> -> memref<125xi32, #tpu.memory_space<vmem>>
      %dma_start3A_376 = arith.constant 0 : i32
      %dma_start3A_377 = arith.constant 0 : i32
      %dma_start3A_378 = tpu.memref_slice %arg21[%dma_start3A_376, %dma_start3A_377] : memref<10240x64xf32, #tpu.memory_space<vmem_shared>> -> memref<10240x64xf32, #tpu.memory_space<vmem_shared>>
      tpu.enqueue_indirect_dma source(%arg14 : memref<125x64xf32, #tpu.memory_space<vmem>>) target(%dma_start3A_378 : memref<10240x64xf32, #tpu.memory_space<vmem_shared>>) offsets(%dma_start3A_375 : memref<125xi32, #tpu.memory_space<vmem>>) semaphore(%arg29 : memref<!tpu.dma_semaphore, #tpu.memory_space<semaphore_mem>>) {add = true}
      %eq3A_379 = arith.constant 0 : i32
      %eq3A_380 = arith.cmpi eq, %arg0, %eq3A_379 : i32
      %convert_element_type3A_381 = arith.extui %eq3A_380 : i1 to i32
      %cond3A_382 = arith.constant 0 : i32
      %cond3A_383 = arith.cmpi ne, %convert_element_type3A_381, %cond3A_382 : i32
      scf.if %cond3A_383 {
        %dma_start3A_564 = arith.constant 0 : i32
        %dma_start3A_565 = tpu.memref_slice %arg13[%mul3A_356, %dma_start3A_564] : memref<160x125xi32, #tpu.memory_space<vmem>> -> memref<1x125xi32, #tpu.memory_space<vmem>>
        %dma_start3A_566 = tpu.memref_squeeze %dma_start3A_565 : memref<1x125xi32, #tpu.memory_space<vmem>> -> memref<125xi32, #tpu.memory_space<vmem>>
        %dma_start3A_567 = arith.constant 0 : i32
        %dma_start3A_568 = arith.constant 0 : i32
        %dma_start3A_569 = tpu.memref_slice %arg22[%dma_start3A_567, %dma_start3A_568] : memref<10240x16xf32, #tpu.memory_space<vmem_shared>> -> memref<10240x16xf32, #tpu.memory_space<vmem_shared>>
        tpu.enqueue_indirect_dma source(%arg17 : memref<125x16xf32, #tpu.memory_space<vmem>>) target(%dma_start3A_569 : memref<10240x16xf32, #tpu.memory_space<vmem_shared>>) offsets(%dma_start3A_566 : memref<125xi32, #tpu.memory_space<vmem>>) semaphore(%arg29 : memref<!tpu.dma_semaphore, #tpu.memory_space<semaphore_mem>>) {add = true}
      } else {
      }
      %eq3A_384 = arith.constant 1 : i32
      %eq3A_385 = arith.cmpi eq, %arg0, %eq3A_384 : i32
      %convert_element_type3A_386 = arith.extui %eq3A_385 : i1 to i32
      %cond3A_387 = arith.constant 0 : i32
      %cond3A_388 = arith.cmpi ne, %convert_element_type3A_386, %cond3A_387 : i32
      scf.if %cond3A_388 {
        %dma_start3A_564 = arith.constant 0 : i32
        %dma_start3A_565 = tpu.memref_slice %arg13[%mul3A_356, %dma_start3A_564] : memref<160x125xi32, #tpu.memory_space<vmem>> -> memref<1x125xi32, #tpu.memory_space<vmem>>
        %dma_start3A_566 = tpu.memref_squeeze %dma_start3A_565 : memref<1x125xi32, #tpu.memory_space<vmem>> -> memref<125xi32, #tpu.memory_space<vmem>>
        %dma_start3A_567 = arith.constant 0 : i32
        %dma_start3A_568 = arith.constant 0 : i32
        %dma_start3A_569 = tpu.memref_slice %arg22[%dma_start3A_567, %dma_start3A_568] : memref<10240x16xf32, #tpu.memory_space<vmem_shared>> -> memref<10240x16xf32, #tpu.memory_space<vmem_shared>>
        tpu.enqueue_indirect_dma source(%arg20 : memref<125x16xf32, #tpu.memory_space<vmem>>) target(%dma_start3A_569 : memref<10240x16xf32, #tpu.memory_space<vmem_shared>>) offsets(%dma_start3A_566 : memref<125xi32, #tpu.memory_space<vmem>>) semaphore(%arg29 : memref<!tpu.dma_semaphore, #tpu.memory_space<semaphore_mem>>) {add = true}
      } else {
      }
      %dma_wait3A_389 = arith.constant 0 : i32
      %dma_wait3A_390 = arith.constant 0 : i32
      %dma_wait3A_391 = tpu.memref_slice %arg13[%dma_wait3A_389, %dma_wait3A_390] : memref<160x125xi32, #tpu.memory_space<vmem>> -> memref<1x125xi32, #tpu.memory_space<vmem>>
      %dma_wait3A_392 = tpu.memref_squeeze %dma_wait3A_391 : memref<1x125xi32, #tpu.memory_space<vmem>> -> memref<125xi32, #tpu.memory_space<vmem>>
      %dma_wait3A_393 = arith.constant 0 : i32
      %dma_wait3A_394 = arith.constant 0 : i32
      %dma_wait3A_395 = tpu.memref_slice %arg21[%dma_wait3A_393, %dma_wait3A_394] : memref<10240x64xf32, #tpu.memory_space<vmem_shared>> -> memref<10240x64xf32, #tpu.memory_space<vmem_shared>>
      tpu.wait_indirect_dma semaphore(%arg31 : memref<!tpu.dma_semaphore, #tpu.memory_space<semaphore_mem>>) src(%arg16 : memref<125x64xf32, #tpu.memory_space<vmem>>) dst(%dma_wait3A_395 : memref<10240x64xf32, #tpu.memory_space<vmem_shared>>)
      %eq3A_396 = arith.constant 0 : i32
      %eq3A_397 = arith.cmpi eq, %arg0, %eq3A_396 : i32
      %convert_element_type3A_398 = arith.extui %eq3A_397 : i1 to i32
      %cond3A_399 = arith.constant 0 : i32
      %cond3A_400 = arith.cmpi ne, %convert_element_type3A_398, %cond3A_399 : i32
      scf.if %cond3A_400 {
        %dma_wait3A_564 = arith.constant 0 : i32
        %dma_wait3A_565 = arith.constant 0 : i32
        %dma_wait3A_566 = tpu.memref_slice %arg13[%dma_wait3A_564, %dma_wait3A_565] : memref<160x125xi32, #tpu.memory_space<vmem>> -> memref<1x125xi32, #tpu.memory_space<vmem>>
        %dma_wait3A_567 = tpu.memref_squeeze %dma_wait3A_566 : memref<1x125xi32, #tpu.memory_space<vmem>> -> memref<125xi32, #tpu.memory_space<vmem>>
        %dma_wait3A_568 = arith.constant 0 : i32
        %dma_wait3A_569 = arith.constant 0 : i32
        %dma_wait3A_570 = tpu.memref_slice %arg22[%dma_wait3A_568, %dma_wait3A_569] : memref<10240x16xf32, #tpu.memory_space<vmem_shared>> -> memref<10240x16xf32, #tpu.memory_space<vmem_shared>>
        tpu.wait_indirect_dma semaphore(%arg31 : memref<!tpu.dma_semaphore, #tpu.memory_space<semaphore_mem>>) src(%arg19 : memref<125x16xf32, #tpu.memory_space<vmem>>) dst(%dma_wait3A_570 : memref<10240x16xf32, #tpu.memory_space<vmem_shared>>)
      } else {
      }
      %eq3A_401 = arith.constant 1 : i32
      %eq3A_402 = arith.cmpi eq, %arg0, %eq3A_401 : i32
      %convert_element_type3A_403 = arith.extui %eq3A_402 : i1 to i32
      %cond3A_404 = arith.constant 0 : i32
      %cond3A_405 = arith.cmpi ne, %convert_element_type3A_403, %cond3A_404 : i32
      scf.if %cond3A_405 {
        %dma_wait3A_564 = arith.constant 0 : i32
        %dma_wait3A_565 = arith.constant 0 : i32
        %dma_wait3A_566 = tpu.memref_slice %arg13[%dma_wait3A_564, %dma_wait3A_565] : memref<160x125xi32, #tpu.memory_space<vmem>> -> memref<1x125xi32, #tpu.memory_space<vmem>>
        %dma_wait3A_567 = tpu.memref_squeeze %dma_wait3A_566 : memref<1x125xi32, #tpu.memory_space<vmem>> -> memref<125xi32, #tpu.memory_space<vmem>>
        %dma_wait3A_568 = arith.constant 0 : i32
        %dma_wait3A_569 = arith.constant 0 : i32
        %dma_wait3A_570 = tpu.memref_slice %arg22[%dma_wait3A_568, %dma_wait3A_569] : memref<10240x16xf32, #tpu.memory_space<vmem_shared>> -> memref<10240x16xf32, #tpu.memory_space<vmem_shared>>
        tpu.wait_indirect_dma semaphore(%arg31 : memref<!tpu.dma_semaphore, #tpu.memory_space<semaphore_mem>>) src(%arg20 : memref<125x16xf32, #tpu.memory_space<vmem>>) dst(%dma_wait3A_570 : memref<10240x16xf32, #tpu.memory_space<vmem_shared>>)
      } else {
      }
      %add3A = arith.constant 2 : i32
      %add3A_406 = arith.addi %mul3A_356, %add3A : i32
      %min3A_407 = arith.constant 159 : i32
      %min3A_408 = arith.minsi %add3A_406, %min3A_407 : i32
      %dma_start3A_409 = arith.constant 0 : i32
      %dma_start3A_410 = tpu.memref_slice %arg12[%min3A_408, %dma_start3A_409] : memref<160x125xi32, #tpu.memory_space<vmem>> -> memref<1x125xi32, #tpu.memory_space<vmem>>
      %dma_start3A_411 = tpu.memref_squeeze %dma_start3A_410 : memref<1x125xi32, #tpu.memory_space<vmem>> -> memref<125xi32, #tpu.memory_space<vmem>>
      %dma_start3A_412 = arith.constant 0 : i32
      %dma_start3A_413 = arith.constant 0 : i32
      %dma_start3A_414 = tpu.memref_slice %arg4[%arg0, %dma_start3A_412, %dma_start3A_413] : memref<2x10000x64xf32, #tpu.memory_space<hbm>> -> memref<1x10000x64xf32, #tpu.memory_space<hbm>>
      %dma_start3A_415 = tpu.memref_squeeze %dma_start3A_414 : memref<1x10000x64xf32, #tpu.memory_space<hbm>> -> memref<10000x64xf32, #tpu.memory_space<hbm>>
      %dma_start3A_416 = arith.constant 0 : i32
      %dma_start3A_417 = arith.constant 0 : i32
      %dma_start3A_418 = tpu.memref_slice %dma_start3A_415[%dma_start3A_416, %dma_start3A_417] : memref<10000x64xf32, #tpu.memory_space<hbm>> -> memref<10000x64xf32, #tpu.memory_space<hbm>>
      tpu.enqueue_indirect_dma source(%dma_start3A_418 : memref<10000x64xf32, #tpu.memory_space<hbm>>) target(%arg16 : memref<125x64xf32, #tpu.memory_space<vmem>>) offsets(%dma_start3A_411 : memref<125xi32, #tpu.memory_space<vmem>>) semaphore(%arg25 : memref<!tpu.dma_semaphore, #tpu.memory_space<semaphore_mem>>)
      %eq3A_419 = arith.constant 0 : i32
      %eq3A_420 = arith.cmpi eq, %arg0, %eq3A_419 : i32
      %convert_element_type3A_421 = arith.extui %eq3A_420 : i1 to i32
      %cond3A_422 = arith.constant 0 : i32
      %cond3A_423 = arith.cmpi ne, %convert_element_type3A_421, %cond3A_422 : i32
      scf.if %cond3A_423 {
        %mul3A_564 = arith.constant 125 : i32
        %mul3A_565 = arith.muli %min3A_408, %mul3A_564 : i32
        %add3A_566 = arith.addi %mul3A_4, %mul3A_565 : i32
        %dma_start3A_567 = arith.constant 0 : i32
        %dma_start3A_568 = tpu.memref_slice %arg5[%add3A_566, %dma_start3A_567] : memref<320000x16xf32, #tpu.memory_space<hbm>> -> memref<125x16xf32, #tpu.memory_space<hbm>>
        %dma_start3A_569 = arith.constant 0 : i32
        %dma_start3A_570 = tpu.memref_slice %arg5[%add3A_566, %dma_start3A_569] : memref<320000x16xf32, #tpu.memory_space<hbm>> -> memref<125x16xf32, #tpu.memory_space<hbm>>
        tpu.enqueue_dma source(%dma_start3A_570 : memref<125x16xf32, #tpu.memory_space<hbm>>) target(%arg19 : memref<125x16xf32, #tpu.memory_space<vmem>>) target_semaphore(%arg28 : memref<!tpu.dma_semaphore, #tpu.memory_space<semaphore_mem>>)
      } else {
      }
      %add3A_424 = arith.constant 1 : i32
      %add3A_425 = arith.addi %mul3A_356, %add3A_424 : i32
      %dma_wait3A_426 = arith.constant 0 : i32
      %dma_wait3A_427 = arith.constant 0 : i32
      %dma_wait3A_428 = tpu.memref_slice %arg12[%dma_wait3A_426, %dma_wait3A_427] : memref<160x125xi32, #tpu.memory_space<vmem>> -> memref<1x125xi32, #tpu.memory_space<vmem>>
      %dma_wait3A_429 = tpu.memref_squeeze %dma_wait3A_428 : memref<1x125xi32, #tpu.memory_space<vmem>> -> memref<125xi32, #tpu.memory_space<vmem>>
      %dma_wait3A_430 = arith.constant 0 : i32
      %dma_wait3A_431 = arith.constant 0 : i32
      %dma_wait3A_432 = tpu.memref_slice %arg4[%arg0, %dma_wait3A_430, %dma_wait3A_431] : memref<2x10000x64xf32, #tpu.memory_space<hbm>> -> memref<1x10000x64xf32, #tpu.memory_space<hbm>>
      %dma_wait3A_433 = tpu.memref_squeeze %dma_wait3A_432 : memref<1x10000x64xf32, #tpu.memory_space<hbm>> -> memref<10000x64xf32, #tpu.memory_space<hbm>>
      %dma_wait3A_434 = arith.constant 0 : i32
      %dma_wait3A_435 = arith.constant 0 : i32
      %dma_wait3A_436 = tpu.memref_slice %dma_wait3A_433[%dma_wait3A_434, %dma_wait3A_435] : memref<10000x64xf32, #tpu.memory_space<hbm>> -> memref<10000x64xf32, #tpu.memory_space<hbm>>
      tpu.wait_indirect_dma semaphore(%arg24 : memref<!tpu.dma_semaphore, #tpu.memory_space<semaphore_mem>>) src(%dma_wait3A_436 : memref<10000x64xf32, #tpu.memory_space<hbm>>) dst(%arg15 : memref<125x64xf32, #tpu.memory_space<vmem>>)
      %eq3A_437 = arith.constant 0 : i32
      %eq3A_438 = arith.cmpi eq, %arg0, %eq3A_437 : i32
      %convert_element_type3A_439 = arith.extui %eq3A_438 : i1 to i32
      %cond3A_440 = arith.constant 0 : i32
      %cond3A_441 = arith.cmpi ne, %convert_element_type3A_439, %cond3A_440 : i32
      scf.if %cond3A_441 {
        %dma_wait3A_564 = arith.constant 0 : i32
        %dma_wait3A_565 = arith.constant 0 : i32
        %dma_wait3A_566 = tpu.memref_slice %arg5[%dma_wait3A_564, %dma_wait3A_565] : memref<320000x16xf32, #tpu.memory_space<hbm>> -> memref<125x16xf32, #tpu.memory_space<hbm>>
        %dma_wait3A_567 = arith.constant 0 : i32
        %dma_wait3A_568 = arith.constant 0 : i32
        %dma_wait3A_569 = tpu.memref_slice %arg5[%dma_wait3A_567, %dma_wait3A_568] : memref<320000x16xf32, #tpu.memory_space<hbm>> -> memref<125x16xf32, #tpu.memory_space<hbm>>
        tpu.wait_dma2 semaphore(%arg27 : memref<!tpu.dma_semaphore, #tpu.memory_space<semaphore_mem>>) src(%dma_wait3A_569 : memref<125x16xf32, #tpu.memory_space<hbm>>) dst(%arg18 : memref<125x16xf32, #tpu.memory_space<vmem>>)
      } else {
      }
      %dma_start3A_442 = arith.constant 0 : i32
      %dma_start3A_443 = tpu.memref_slice %arg13[%add3A_425, %dma_start3A_442] : memref<160x125xi32, #tpu.memory_space<vmem>> -> memref<1x125xi32, #tpu.memory_space<vmem>>
      %dma_start3A_444 = tpu.memref_squeeze %dma_start3A_443 : memref<1x125xi32, #tpu.memory_space<vmem>> -> memref<125xi32, #tpu.memory_space<vmem>>
      %dma_start3A_445 = arith.constant 0 : i32
      %dma_start3A_446 = arith.constant 0 : i32
      %dma_start3A_447 = tpu.memref_slice %arg21[%dma_start3A_445, %dma_start3A_446] : memref<10240x64xf32, #tpu.memory_space<vmem_shared>> -> memref<10240x64xf32, #tpu.memory_space<vmem_shared>>
      tpu.enqueue_indirect_dma source(%arg15 : memref<125x64xf32, #tpu.memory_space<vmem>>) target(%dma_start3A_447 : memref<10240x64xf32, #tpu.memory_space<vmem_shared>>) offsets(%dma_start3A_444 : memref<125xi32, #tpu.memory_space<vmem>>) semaphore(%arg30 : memref<!tpu.dma_semaphore, #tpu.memory_space<semaphore_mem>>) {add = true}
      %eq3A_448 = arith.constant 0 : i32
      %eq3A_449 = arith.cmpi eq, %arg0, %eq3A_448 : i32
      %convert_element_type3A_450 = arith.extui %eq3A_449 : i1 to i32
      %cond3A_451 = arith.constant 0 : i32
      %cond3A_452 = arith.cmpi ne, %convert_element_type3A_450, %cond3A_451 : i32
      scf.if %cond3A_452 {
        %dma_start3A_564 = arith.constant 0 : i32
        %dma_start3A_565 = tpu.memref_slice %arg13[%add3A_425, %dma_start3A_564] : memref<160x125xi32, #tpu.memory_space<vmem>> -> memref<1x125xi32, #tpu.memory_space<vmem>>
        %dma_start3A_566 = tpu.memref_squeeze %dma_start3A_565 : memref<1x125xi32, #tpu.memory_space<vmem>> -> memref<125xi32, #tpu.memory_space<vmem>>
        %dma_start3A_567 = arith.constant 0 : i32
        %dma_start3A_568 = arith.constant 0 : i32
        %dma_start3A_569 = tpu.memref_slice %arg22[%dma_start3A_567, %dma_start3A_568] : memref<10240x16xf32, #tpu.memory_space<vmem_shared>> -> memref<10240x16xf32, #tpu.memory_space<vmem_shared>>
        tpu.enqueue_indirect_dma source(%arg18 : memref<125x16xf32, #tpu.memory_space<vmem>>) target(%dma_start3A_569 : memref<10240x16xf32, #tpu.memory_space<vmem_shared>>) offsets(%dma_start3A_566 : memref<125xi32, #tpu.memory_space<vmem>>) semaphore(%arg30 : memref<!tpu.dma_semaphore, #tpu.memory_space<semaphore_mem>>) {add = true}
      } else {
      }
      %eq3A_453 = arith.constant 1 : i32
      %eq3A_454 = arith.cmpi eq, %arg0, %eq3A_453 : i32
      %convert_element_type3A_455 = arith.extui %eq3A_454 : i1 to i32
      %cond3A_456 = arith.constant 0 : i32
      %cond3A_457 = arith.cmpi ne, %convert_element_type3A_455, %cond3A_456 : i32
      scf.if %cond3A_457 {
        %dma_start3A_564 = arith.constant 0 : i32
        %dma_start3A_565 = tpu.memref_slice %arg13[%add3A_425, %dma_start3A_564] : memref<160x125xi32, #tpu.memory_space<vmem>> -> memref<1x125xi32, #tpu.memory_space<vmem>>
        %dma_start3A_566 = tpu.memref_squeeze %dma_start3A_565 : memref<1x125xi32, #tpu.memory_space<vmem>> -> memref<125xi32, #tpu.memory_space<vmem>>
        %dma_start3A_567 = arith.constant 0 : i32
        %dma_start3A_568 = arith.constant 0 : i32
        %dma_start3A_569 = tpu.memref_slice %arg22[%dma_start3A_567, %dma_start3A_568] : memref<10240x16xf32, #tpu.memory_space<vmem_shared>> -> memref<10240x16xf32, #tpu.memory_space<vmem_shared>>
        tpu.enqueue_indirect_dma source(%arg20 : memref<125x16xf32, #tpu.memory_space<vmem>>) target(%dma_start3A_569 : memref<10240x16xf32, #tpu.memory_space<vmem_shared>>) offsets(%dma_start3A_566 : memref<125xi32, #tpu.memory_space<vmem>>) semaphore(%arg30 : memref<!tpu.dma_semaphore, #tpu.memory_space<semaphore_mem>>) {add = true}
      } else {
      }
      %dma_wait3A_458 = arith.constant 0 : i32
      %dma_wait3A_459 = arith.constant 0 : i32
      %dma_wait3A_460 = tpu.memref_slice %arg13[%dma_wait3A_458, %dma_wait3A_459] : memref<160x125xi32, #tpu.memory_space<vmem>> -> memref<1x125xi32, #tpu.memory_space<vmem>>
      %dma_wait3A_461 = tpu.memref_squeeze %dma_wait3A_460 : memref<1x125xi32, #tpu.memory_space<vmem>> -> memref<125xi32, #tpu.memory_space<vmem>>
      %dma_wait3A_462 = arith.constant 0 : i32
      %dma_wait3A_463 = arith.constant 0 : i32
      %dma_wait3A_464 = tpu.memref_slice %arg21[%dma_wait3A_462, %dma_wait3A_463] : memref<10240x64xf32, #tpu.memory_space<vmem_shared>> -> memref<10240x64xf32, #tpu.memory_space<vmem_shared>>
      tpu.wait_indirect_dma semaphore(%arg29 : memref<!tpu.dma_semaphore, #tpu.memory_space<semaphore_mem>>) src(%arg14 : memref<125x64xf32, #tpu.memory_space<vmem>>) dst(%dma_wait3A_464 : memref<10240x64xf32, #tpu.memory_space<vmem_shared>>)
      %eq3A_465 = arith.constant 0 : i32
      %eq3A_466 = arith.cmpi eq, %arg0, %eq3A_465 : i32
      %convert_element_type3A_467 = arith.extui %eq3A_466 : i1 to i32
      %cond3A_468 = arith.constant 0 : i32
      %cond3A_469 = arith.cmpi ne, %convert_element_type3A_467, %cond3A_468 : i32
      scf.if %cond3A_469 {
        %dma_wait3A_564 = arith.constant 0 : i32
        %dma_wait3A_565 = arith.constant 0 : i32
        %dma_wait3A_566 = tpu.memref_slice %arg13[%dma_wait3A_564, %dma_wait3A_565] : memref<160x125xi32, #tpu.memory_space<vmem>> -> memref<1x125xi32, #tpu.memory_space<vmem>>
        %dma_wait3A_567 = tpu.memref_squeeze %dma_wait3A_566 : memref<1x125xi32, #tpu.memory_space<vmem>> -> memref<125xi32, #tpu.memory_space<vmem>>
        %dma_wait3A_568 = arith.constant 0 : i32
        %dma_wait3A_569 = arith.constant 0 : i32
        %dma_wait3A_570 = tpu.memref_slice %arg22[%dma_wait3A_568, %dma_wait3A_569] : memref<10240x16xf32, #tpu.memory_space<vmem_shared>> -> memref<10240x16xf32, #tpu.memory_space<vmem_shared>>
        tpu.wait_indirect_dma semaphore(%arg29 : memref<!tpu.dma_semaphore, #tpu.memory_space<semaphore_mem>>) src(%arg17 : memref<125x16xf32, #tpu.memory_space<vmem>>) dst(%dma_wait3A_570 : memref<10240x16xf32, #tpu.memory_space<vmem_shared>>)
      } else {
      }
      %eq3A_470 = arith.constant 1 : i32
      %eq3A_471 = arith.cmpi eq, %arg0, %eq3A_470 : i32
      %convert_element_type3A_472 = arith.extui %eq3A_471 : i1 to i32
      %cond3A_473 = arith.constant 0 : i32
      %cond3A_474 = arith.cmpi ne, %convert_element_type3A_472, %cond3A_473 : i32
      scf.if %cond3A_474 {
        %dma_wait3A_564 = arith.constant 0 : i32
        %dma_wait3A_565 = arith.constant 0 : i32
        %dma_wait3A_566 = tpu.memref_slice %arg13[%dma_wait3A_564, %dma_wait3A_565] : memref<160x125xi32, #tpu.memory_space<vmem>> -> memref<1x125xi32, #tpu.memory_space<vmem>>
        %dma_wait3A_567 = tpu.memref_squeeze %dma_wait3A_566 : memref<1x125xi32, #tpu.memory_space<vmem>> -> memref<125xi32, #tpu.memory_space<vmem>>
        %dma_wait3A_568 = arith.constant 0 : i32
        %dma_wait3A_569 = arith.constant 0 : i32
        %dma_wait3A_570 = tpu.memref_slice %arg22[%dma_wait3A_568, %dma_wait3A_569] : memref<10240x16xf32, #tpu.memory_space<vmem_shared>> -> memref<10240x16xf32, #tpu.memory_space<vmem_shared>>
        tpu.wait_indirect_dma semaphore(%arg29 : memref<!tpu.dma_semaphore, #tpu.memory_space<semaphore_mem>>) src(%arg20 : memref<125x16xf32, #tpu.memory_space<vmem>>) dst(%dma_wait3A_570 : memref<10240x16xf32, #tpu.memory_space<vmem_shared>>)
      } else {
      }
      %add3A_475 = arith.constant 2 : i32
      %add3A_476 = arith.addi %add3A_425, %add3A_475 : i32
      %min3A_477 = arith.constant 159 : i32
      %min3A_478 = arith.minsi %add3A_476, %min3A_477 : i32
      %dma_start3A_479 = arith.constant 0 : i32
      %dma_start3A_480 = tpu.memref_slice %arg12[%min3A_478, %dma_start3A_479] : memref<160x125xi32, #tpu.memory_space<vmem>> -> memref<1x125xi32, #tpu.memory_space<vmem>>
      %dma_start3A_481 = tpu.memref_squeeze %dma_start3A_480 : memref<1x125xi32, #tpu.memory_space<vmem>> -> memref<125xi32, #tpu.memory_space<vmem>>
      %dma_start3A_482 = arith.constant 0 : i32
      %dma_start3A_483 = arith.constant 0 : i32
      %dma_start3A_484 = tpu.memref_slice %arg4[%arg0, %dma_start3A_482, %dma_start3A_483] : memref<2x10000x64xf32, #tpu.memory_space<hbm>> -> memref<1x10000x64xf32, #tpu.memory_space<hbm>>
      %dma_start3A_485 = tpu.memref_squeeze %dma_start3A_484 : memref<1x10000x64xf32, #tpu.memory_space<hbm>> -> memref<10000x64xf32, #tpu.memory_space<hbm>>
      %dma_start3A_486 = arith.constant 0 : i32
      %dma_start3A_487 = arith.constant 0 : i32
      %dma_start3A_488 = tpu.memref_slice %dma_start3A_485[%dma_start3A_486, %dma_start3A_487] : memref<10000x64xf32, #tpu.memory_space<hbm>> -> memref<10000x64xf32, #tpu.memory_space<hbm>>
      tpu.enqueue_indirect_dma source(%dma_start3A_488 : memref<10000x64xf32, #tpu.memory_space<hbm>>) target(%arg14 : memref<125x64xf32, #tpu.memory_space<vmem>>) offsets(%dma_start3A_481 : memref<125xi32, #tpu.memory_space<vmem>>) semaphore(%arg23 : memref<!tpu.dma_semaphore, #tpu.memory_space<semaphore_mem>>)
      %eq3A_489 = arith.constant 0 : i32
      %eq3A_490 = arith.cmpi eq, %arg0, %eq3A_489 : i32
      %convert_element_type3A_491 = arith.extui %eq3A_490 : i1 to i32
      %cond3A_492 = arith.constant 0 : i32
      %cond3A_493 = arith.cmpi ne, %convert_element_type3A_491, %cond3A_492 : i32
      scf.if %cond3A_493 {
        %mul3A_564 = arith.constant 125 : i32
        %mul3A_565 = arith.muli %min3A_478, %mul3A_564 : i32
        %add3A_566 = arith.addi %mul3A_4, %mul3A_565 : i32
        %dma_start3A_567 = arith.constant 0 : i32
        %dma_start3A_568 = tpu.memref_slice %arg5[%add3A_566, %dma_start3A_567] : memref<320000x16xf32, #tpu.memory_space<hbm>> -> memref<125x16xf32, #tpu.memory_space<hbm>>
        %dma_start3A_569 = arith.constant 0 : i32
        %dma_start3A_570 = tpu.memref_slice %arg5[%add3A_566, %dma_start3A_569] : memref<320000x16xf32, #tpu.memory_space<hbm>> -> memref<125x16xf32, #tpu.memory_space<hbm>>
        tpu.enqueue_dma source(%dma_start3A_570 : memref<125x16xf32, #tpu.memory_space<hbm>>) target(%arg17 : memref<125x16xf32, #tpu.memory_space<vmem>>) target_semaphore(%arg26 : memref<!tpu.dma_semaphore, #tpu.memory_space<semaphore_mem>>)
      } else {
      }
      %add3A_494 = arith.constant 2 : i32
      %add3A_495 = arith.addi %mul3A_356, %add3A_494 : i32
      %dma_wait3A_496 = arith.constant 0 : i32
      %dma_wait3A_497 = arith.constant 0 : i32
      %dma_wait3A_498 = tpu.memref_slice %arg12[%dma_wait3A_496, %dma_wait3A_497] : memref<160x125xi32, #tpu.memory_space<vmem>> -> memref<1x125xi32, #tpu.memory_space<vmem>>
      %dma_wait3A_499 = tpu.memref_squeeze %dma_wait3A_498 : memref<1x125xi32, #tpu.memory_space<vmem>> -> memref<125xi32, #tpu.memory_space<vmem>>
      %dma_wait3A_500 = arith.constant 0 : i32
      %dma_wait3A_501 = arith.constant 0 : i32
      %dma_wait3A_502 = tpu.memref_slice %arg4[%arg0, %dma_wait3A_500, %dma_wait3A_501] : memref<2x10000x64xf32, #tpu.memory_space<hbm>> -> memref<1x10000x64xf32, #tpu.memory_space<hbm>>
      %dma_wait3A_503 = tpu.memref_squeeze %dma_wait3A_502 : memref<1x10000x64xf32, #tpu.memory_space<hbm>> -> memref<10000x64xf32, #tpu.memory_space<hbm>>
      %dma_wait3A_504 = arith.constant 0 : i32
      %dma_wait3A_505 = arith.constant 0 : i32
      %dma_wait3A_506 = tpu.memref_slice %dma_wait3A_503[%dma_wait3A_504, %dma_wait3A_505] : memref<10000x64xf32, #tpu.memory_space<hbm>> -> memref<10000x64xf32, #tpu.memory_space<hbm>>
      tpu.wait_indirect_dma semaphore(%arg25 : memref<!tpu.dma_semaphore, #tpu.memory_space<semaphore_mem>>) src(%dma_wait3A_506 : memref<10000x64xf32, #tpu.memory_space<hbm>>) dst(%arg16 : memref<125x64xf32, #tpu.memory_space<vmem>>)
      %eq3A_507 = arith.constant 0 : i32
      %eq3A_508 = arith.cmpi eq, %arg0, %eq3A_507 : i32
      %convert_element_type3A_509 = arith.extui %eq3A_508 : i1 to i32
      %cond3A_510 = arith.constant 0 : i32
      %cond3A_511 = arith.cmpi ne, %convert_element_type3A_509, %cond3A_510 : i32
      scf.if %cond3A_511 {
        %dma_wait3A_564 = arith.constant 0 : i32
        %dma_wait3A_565 = arith.constant 0 : i32
        %dma_wait3A_566 = tpu.memref_slice %arg5[%dma_wait3A_564, %dma_wait3A_565] : memref<320000x16xf32, #tpu.memory_space<hbm>> -> memref<125x16xf32, #tpu.memory_space<hbm>>
        %dma_wait3A_567 = arith.constant 0 : i32
        %dma_wait3A_568 = arith.constant 0 : i32
        %dma_wait3A_569 = tpu.memref_slice %arg5[%dma_wait3A_567, %dma_wait3A_568] : memref<320000x16xf32, #tpu.memory_space<hbm>> -> memref<125x16xf32, #tpu.memory_space<hbm>>
        tpu.wait_dma2 semaphore(%arg28 : memref<!tpu.dma_semaphore, #tpu.memory_space<semaphore_mem>>) src(%dma_wait3A_569 : memref<125x16xf32, #tpu.memory_space<hbm>>) dst(%arg19 : memref<125x16xf32, #tpu.memory_space<vmem>>)
      } else {
      }
      %dma_start3A_512 = arith.constant 0 : i32
      %dma_start3A_513 = tpu.memref_slice %arg13[%add3A_495, %dma_start3A_512] : memref<160x125xi32, #tpu.memory_space<vmem>> -> memref<1x125xi32, #tpu.memory_space<vmem>>
      %dma_start3A_514 = tpu.memref_squeeze %dma_start3A_513 : memref<1x125xi32, #tpu.memory_space<vmem>> -> memref<125xi32, #tpu.memory_space<vmem>>
      %dma_start3A_515 = arith.constant 0 : i32
      %dma_start3A_516 = arith.constant 0 : i32
      %dma_start3A_517 = tpu.memref_slice %arg21[%dma_start3A_515, %dma_start3A_516] : memref<10240x64xf32, #tpu.memory_space<vmem_shared>> -> memref<10240x64xf32, #tpu.memory_space<vmem_shared>>
      tpu.enqueue_indirect_dma source(%arg16 : memref<125x64xf32, #tpu.memory_space<vmem>>) target(%dma_start3A_517 : memref<10240x64xf32, #tpu.memory_space<vmem_shared>>) offsets(%dma_start3A_514 : memref<125xi32, #tpu.memory_space<vmem>>) semaphore(%arg31 : memref<!tpu.dma_semaphore, #tpu.memory_space<semaphore_mem>>) {add = true}
      %eq3A_518 = arith.constant 0 : i32
      %eq3A_519 = arith.cmpi eq, %arg0, %eq3A_518 : i32
      %convert_element_type3A_520 = arith.extui %eq3A_519 : i1 to i32
      %cond3A_521 = arith.constant 0 : i32
      %cond3A_522 = arith.cmpi ne, %convert_element_type3A_520, %cond3A_521 : i32
      scf.if %cond3A_522 {
        %dma_start3A_564 = arith.constant 0 : i32
        %dma_start3A_565 = tpu.memref_slice %arg13[%add3A_495, %dma_start3A_564] : memref<160x125xi32, #tpu.memory_space<vmem>> -> memref<1x125xi32, #tpu.memory_space<vmem>>
        %dma_start3A_566 = tpu.memref_squeeze %dma_start3A_565 : memref<1x125xi32, #tpu.memory_space<vmem>> -> memref<125xi32, #tpu.memory_space<vmem>>
        %dma_start3A_567 = arith.constant 0 : i32
        %dma_start3A_568 = arith.constant 0 : i32
        %dma_start3A_569 = tpu.memref_slice %arg22[%dma_start3A_567, %dma_start3A_568] : memref<10240x16xf32, #tpu.memory_space<vmem_shared>> -> memref<10240x16xf32, #tpu.memory_space<vmem_shared>>
        tpu.enqueue_indirect_dma source(%arg19 : memref<125x16xf32, #tpu.memory_space<vmem>>) target(%dma_start3A_569 : memref<10240x16xf32, #tpu.memory_space<vmem_shared>>) offsets(%dma_start3A_566 : memref<125xi32, #tpu.memory_space<vmem>>) semaphore(%arg31 : memref<!tpu.dma_semaphore, #tpu.memory_space<semaphore_mem>>) {add = true}
      } else {
      }
      %eq3A_523 = arith.constant 1 : i32
      %eq3A_524 = arith.cmpi eq, %arg0, %eq3A_523 : i32
      %convert_element_type3A_525 = arith.extui %eq3A_524 : i1 to i32
      %cond3A_526 = arith.constant 0 : i32
      %cond3A_527 = arith.cmpi ne, %convert_element_type3A_525, %cond3A_526 : i32
      scf.if %cond3A_527 {
        %dma_start3A_564 = arith.constant 0 : i32
        %dma_start3A_565 = tpu.memref_slice %arg13[%add3A_495, %dma_start3A_564] : memref<160x125xi32, #tpu.memory_space<vmem>> -> memref<1x125xi32, #tpu.memory_space<vmem>>
        %dma_start3A_566 = tpu.memref_squeeze %dma_start3A_565 : memref<1x125xi32, #tpu.memory_space<vmem>> -> memref<125xi32, #tpu.memory_space<vmem>>
        %dma_start3A_567 = arith.constant 0 : i32
        %dma_start3A_568 = arith.constant 0 : i32
        %dma_start3A_569 = tpu.memref_slice %arg22[%dma_start3A_567, %dma_start3A_568] : memref<10240x16xf32, #tpu.memory_space<vmem_shared>> -> memref<10240x16xf32, #tpu.memory_space<vmem_shared>>
        tpu.enqueue_indirect_dma source(%arg20 : memref<125x16xf32, #tpu.memory_space<vmem>>) target(%dma_start3A_569 : memref<10240x16xf32, #tpu.memory_space<vmem_shared>>) offsets(%dma_start3A_566 : memref<125xi32, #tpu.memory_space<vmem>>) semaphore(%arg31 : memref<!tpu.dma_semaphore, #tpu.memory_space<semaphore_mem>>) {add = true}
      } else {
      }
      %dma_wait3A_528 = arith.constant 0 : i32
      %dma_wait3A_529 = arith.constant 0 : i32
      %dma_wait3A_530 = tpu.memref_slice %arg13[%dma_wait3A_528, %dma_wait3A_529] : memref<160x125xi32, #tpu.memory_space<vmem>> -> memref<1x125xi32, #tpu.memory_space<vmem>>
      %dma_wait3A_531 = tpu.memref_squeeze %dma_wait3A_530 : memref<1x125xi32, #tpu.memory_space<vmem>> -> memref<125xi32, #tpu.memory_space<vmem>>
      %dma_wait3A_532 = arith.constant 0 : i32
      %dma_wait3A_533 = arith.constant 0 : i32
      %dma_wait3A_534 = tpu.memref_slice %arg21[%dma_wait3A_532, %dma_wait3A_533] : memref<10240x64xf32, #tpu.memory_space<vmem_shared>> -> memref<10240x64xf32, #tpu.memory_space<vmem_shared>>
      tpu.wait_indirect_dma semaphore(%arg30 : memref<!tpu.dma_semaphore, #tpu.memory_space<semaphore_mem>>) src(%arg15 : memref<125x64xf32, #tpu.memory_space<vmem>>) dst(%dma_wait3A_534 : memref<10240x64xf32, #tpu.memory_space<vmem_shared>>)
      %eq3A_535 = arith.constant 0 : i32
      %eq3A_536 = arith.cmpi eq, %arg0, %eq3A_535 : i32
      %convert_element_type3A_537 = arith.extui %eq3A_536 : i1 to i32
      %cond3A_538 = arith.constant 0 : i32
      %cond3A_539 = arith.cmpi ne, %convert_element_type3A_537, %cond3A_538 : i32
      scf.if %cond3A_539 {
        %dma_wait3A_564 = arith.constant 0 : i32
        %dma_wait3A_565 = arith.constant 0 : i32
        %dma_wait3A_566 = tpu.memref_slice %arg13[%dma_wait3A_564, %dma_wait3A_565] : memref<160x125xi32, #tpu.memory_space<vmem>> -> memref<1x125xi32, #tpu.memory_space<vmem>>
        %dma_wait3A_567 = tpu.memref_squeeze %dma_wait3A_566 : memref<1x125xi32, #tpu.memory_space<vmem>> -> memref<125xi32, #tpu.memory_space<vmem>>
        %dma_wait3A_568 = arith.constant 0 : i32
        %dma_wait3A_569 = arith.constant 0 : i32
        %dma_wait3A_570 = tpu.memref_slice %arg22[%dma_wait3A_568, %dma_wait3A_569] : memref<10240x16xf32, #tpu.memory_space<vmem_shared>> -> memref<10240x16xf32, #tpu.memory_space<vmem_shared>>
        tpu.wait_indirect_dma semaphore(%arg30 : memref<!tpu.dma_semaphore, #tpu.memory_space<semaphore_mem>>) src(%arg18 : memref<125x16xf32, #tpu.memory_space<vmem>>) dst(%dma_wait3A_570 : memref<10240x16xf32, #tpu.memory_space<vmem_shared>>)
      } else {
      }
      %eq3A_540 = arith.constant 1 : i32
      %eq3A_541 = arith.cmpi eq, %arg0, %eq3A_540 : i32
      %convert_element_type3A_542 = arith.extui %eq3A_541 : i1 to i32
      %cond3A_543 = arith.constant 0 : i32
      %cond3A_544 = arith.cmpi ne, %convert_element_type3A_542, %cond3A_543 : i32
      scf.if %cond3A_544 {
        %dma_wait3A_564 = arith.constant 0 : i32
        %dma_wait3A_565 = arith.constant 0 : i32
        %dma_wait3A_566 = tpu.memref_slice %arg13[%dma_wait3A_564, %dma_wait3A_565] : memref<160x125xi32, #tpu.memory_space<vmem>> -> memref<1x125xi32, #tpu.memory_space<vmem>>
        %dma_wait3A_567 = tpu.memref_squeeze %dma_wait3A_566 : memref<1x125xi32, #tpu.memory_space<vmem>> -> memref<125xi32, #tpu.memory_space<vmem>>
        %dma_wait3A_568 = arith.constant 0 : i32
        %dma_wait3A_569 = arith.constant 0 : i32
        %dma_wait3A_570 = tpu.memref_slice %arg22[%dma_wait3A_568, %dma_wait3A_569] : memref<10240x16xf32, #tpu.memory_space<vmem_shared>> -> memref<10240x16xf32, #tpu.memory_space<vmem_shared>>
        tpu.wait_indirect_dma semaphore(%arg30 : memref<!tpu.dma_semaphore, #tpu.memory_space<semaphore_mem>>) src(%arg20 : memref<125x16xf32, #tpu.memory_space<vmem>>) dst(%dma_wait3A_570 : memref<10240x16xf32, #tpu.memory_space<vmem_shared>>)
      } else {
      }
      %add3A_545 = arith.constant 2 : i32
      %add3A_546 = arith.addi %add3A_495, %add3A_545 : i32
      %min3A_547 = arith.constant 159 : i32
      %min3A_548 = arith.minsi %add3A_546, %min3A_547 : i32
      %dma_start3A_549 = arith.constant 0 : i32
      %dma_start3A_550 = tpu.memref_slice %arg12[%min3A_548, %dma_start3A_549] : memref<160x125xi32, #tpu.memory_space<vmem>> -> memref<1x125xi32, #tpu.memory_space<vmem>>
      %dma_start3A_551 = tpu.memref_squeeze %dma_start3A_550 : memref<1x125xi32, #tpu.memory_space<vmem>> -> memref<125xi32, #tpu.memory_space<vmem>>
      %dma_start3A_552 = arith.constant 0 : i32
      %dma_start3A_553 = arith.constant 0 : i32
      %dma_start3A_554 = tpu.memref_slice %arg4[%arg0, %dma_start3A_552, %dma_start3A_553] : memref<2x10000x64xf32, #tpu.memory_space<hbm>> -> memref<1x10000x64xf32, #tpu.memory_space<hbm>>
      %dma_start3A_555 = tpu.memref_squeeze %dma_start3A_554 : memref<1x10000x64xf32, #tpu.memory_space<hbm>> -> memref<10000x64xf32, #tpu.memory_space<hbm>>
      %dma_start3A_556 = arith.constant 0 : i32
      %dma_start3A_557 = arith.constant 0 : i32
      %dma_start3A_558 = tpu.memref_slice %dma_start3A_555[%dma_start3A_556, %dma_start3A_557] : memref<10000x64xf32, #tpu.memory_space<hbm>> -> memref<10000x64xf32, #tpu.memory_space<hbm>>
      tpu.enqueue_indirect_dma source(%dma_start3A_558 : memref<10000x64xf32, #tpu.memory_space<hbm>>) target(%arg15 : memref<125x64xf32, #tpu.memory_space<vmem>>) offsets(%dma_start3A_551 : memref<125xi32, #tpu.memory_space<vmem>>) semaphore(%arg24 : memref<!tpu.dma_semaphore, #tpu.memory_space<semaphore_mem>>)
      %eq3A_559 = arith.constant 0 : i32
      %eq3A_560 = arith.cmpi eq, %arg0, %eq3A_559 : i32
      %convert_element_type3A_561 = arith.extui %eq3A_560 : i1 to i32
      %cond3A_562 = arith.constant 0 : i32
      %cond3A_563 = arith.cmpi ne, %convert_element_type3A_561, %cond3A_562 : i32
      scf.if %cond3A_563 {
        %mul3A_564 = arith.constant 125 : i32
        %mul3A_565 = arith.muli %min3A_548, %mul3A_564 : i32
        %add3A_566 = arith.addi %mul3A_4, %mul3A_565 : i32
        %dma_start3A_567 = arith.constant 0 : i32
        %dma_start3A_568 = tpu.memref_slice %arg5[%add3A_566, %dma_start3A_567] : memref<320000x16xf32, #tpu.memory_space<hbm>> -> memref<125x16xf32, #tpu.memory_space<hbm>>
        %dma_start3A_569 = arith.constant 0 : i32
        %dma_start3A_570 = tpu.memref_slice %arg5[%add3A_566, %dma_start3A_569] : memref<320000x16xf32, #tpu.memory_space<hbm>> -> memref<125x16xf32, #tpu.memory_space<hbm>>
        tpu.enqueue_dma source(%dma_start3A_570 : memref<125x16xf32, #tpu.memory_space<hbm>>) target(%arg18 : memref<125x16xf32, #tpu.memory_space<vmem>>) target_semaphore(%arg27 : memref<!tpu.dma_semaphore, #tpu.memory_space<semaphore_mem>>)
      } else {
      }
    }
    %scan3A_225 = arith.constant 52 : i32
    %dma_wait3A_226 = arith.constant 0 : i32
    %dma_wait3A_227 = arith.constant 0 : i32
    %dma_wait3A_228 = tpu.memref_slice %arg12[%dma_wait3A_226, %dma_wait3A_227] : memref<160x125xi32, #tpu.memory_space<vmem>> -> memref<1x125xi32, #tpu.memory_space<vmem>>
    %dma_wait3A_229 = tpu.memref_squeeze %dma_wait3A_228 : memref<1x125xi32, #tpu.memory_space<vmem>> -> memref<125xi32, #tpu.memory_space<vmem>>
    %dma_wait3A_230 = arith.constant 0 : i32
    %dma_wait3A_231 = arith.constant 0 : i32
    %dma_wait3A_232 = tpu.memref_slice %arg4[%arg0, %dma_wait3A_230, %dma_wait3A_231] : memref<2x10000x64xf32, #tpu.memory_space<hbm>> -> memref<1x10000x64xf32, #tpu.memory_space<hbm>>
    %dma_wait3A_233 = tpu.memref_squeeze %dma_wait3A_232 : memref<1x10000x64xf32, #tpu.memory_space<hbm>> -> memref<10000x64xf32, #tpu.memory_space<hbm>>
    %dma_wait3A_234 = arith.constant 0 : i32
    %dma_wait3A_235 = arith.constant 0 : i32
    %dma_wait3A_236 = tpu.memref_slice %dma_wait3A_233[%dma_wait3A_234, %dma_wait3A_235] : memref<10000x64xf32, #tpu.memory_space<hbm>> -> memref<10000x64xf32, #tpu.memory_space<hbm>>
    tpu.wait_indirect_dma semaphore(%arg23 : memref<!tpu.dma_semaphore, #tpu.memory_space<semaphore_mem>>) src(%dma_wait3A_236 : memref<10000x64xf32, #tpu.memory_space<hbm>>) dst(%arg14 : memref<125x64xf32, #tpu.memory_space<vmem>>)
    %eq3A_237 = arith.constant 0 : i32
    %eq3A_238 = arith.cmpi eq, %arg0, %eq3A_237 : i32
    %convert_element_type3A_239 = arith.extui %eq3A_238 : i1 to i32
    %cond3A_240 = arith.constant 0 : i32
    %cond3A_241 = arith.cmpi ne, %convert_element_type3A_239, %cond3A_240 : i32
    scf.if %cond3A_241 {
      %dma_wait3A_354 = arith.constant 0 : i32
      %dma_wait3A_355 = arith.constant 0 : i32
      %dma_wait3A_356 = tpu.memref_slice %arg5[%dma_wait3A_354, %dma_wait3A_355] : memref<320000x16xf32, #tpu.memory_space<hbm>> -> memref<125x16xf32, #tpu.memory_space<hbm>>
      %dma_wait3A_357 = arith.constant 0 : i32
      %dma_wait3A_358 = arith.constant 0 : i32
      %dma_wait3A_359 = tpu.memref_slice %arg5[%dma_wait3A_357, %dma_wait3A_358] : memref<320000x16xf32, #tpu.memory_space<hbm>> -> memref<125x16xf32, #tpu.memory_space<hbm>>
      tpu.wait_dma2 semaphore(%arg26 : memref<!tpu.dma_semaphore, #tpu.memory_space<semaphore_mem>>) src(%dma_wait3A_359 : memref<125x16xf32, #tpu.memory_space<hbm>>) dst(%arg17 : memref<125x16xf32, #tpu.memory_space<vmem>>)
    } else {
    }
    %dma_start3A_242 = arith.constant 159 : i32
    %dma_start3A_243 = arith.constant 0 : i32
    %dma_start3A_244 = tpu.memref_slice %arg13[%dma_start3A_242, %dma_start3A_243] : memref<160x125xi32, #tpu.memory_space<vmem>> -> memref<1x125xi32, #tpu.memory_space<vmem>>
    %dma_start3A_245 = tpu.memref_squeeze %dma_start3A_244 : memref<1x125xi32, #tpu.memory_space<vmem>> -> memref<125xi32, #tpu.memory_space<vmem>>
    %dma_start3A_246 = arith.constant 0 : i32
    %dma_start3A_247 = arith.constant 0 : i32
    %dma_start3A_248 = tpu.memref_slice %arg21[%dma_start3A_246, %dma_start3A_247] : memref<10240x64xf32, #tpu.memory_space<vmem_shared>> -> memref<10240x64xf32, #tpu.memory_space<vmem_shared>>
    tpu.enqueue_indirect_dma source(%arg14 : memref<125x64xf32, #tpu.memory_space<vmem>>) target(%dma_start3A_248 : memref<10240x64xf32, #tpu.memory_space<vmem_shared>>) offsets(%dma_start3A_245 : memref<125xi32, #tpu.memory_space<vmem>>) semaphore(%arg29 : memref<!tpu.dma_semaphore, #tpu.memory_space<semaphore_mem>>) {add = true}
    %eq3A_249 = arith.constant 0 : i32
    %eq3A_250 = arith.cmpi eq, %arg0, %eq3A_249 : i32
    %convert_element_type3A_251 = arith.extui %eq3A_250 : i1 to i32
    %cond3A_252 = arith.constant 0 : i32
    %cond3A_253 = arith.cmpi ne, %convert_element_type3A_251, %cond3A_252 : i32
    scf.if %cond3A_253 {
      %dma_start3A_354 = arith.constant 159 : i32
      %dma_start3A_355 = arith.constant 0 : i32
      %dma_start3A_356 = tpu.memref_slice %arg13[%dma_start3A_354, %dma_start3A_355] : memref<160x125xi32, #tpu.memory_space<vmem>> -> memref<1x125xi32, #tpu.memory_space<vmem>>
      %dma_start3A_357 = tpu.memref_squeeze %dma_start3A_356 : memref<1x125xi32, #tpu.memory_space<vmem>> -> memref<125xi32, #tpu.memory_space<vmem>>
      %dma_start3A_358 = arith.constant 0 : i32
      %dma_start3A_359 = arith.constant 0 : i32
      %dma_start3A_360 = tpu.memref_slice %arg22[%dma_start3A_358, %dma_start3A_359] : memref<10240x16xf32, #tpu.memory_space<vmem_shared>> -> memref<10240x16xf32, #tpu.memory_space<vmem_shared>>
      tpu.enqueue_indirect_dma source(%arg17 : memref<125x16xf32, #tpu.memory_space<vmem>>) target(%dma_start3A_360 : memref<10240x16xf32, #tpu.memory_space<vmem_shared>>) offsets(%dma_start3A_357 : memref<125xi32, #tpu.memory_space<vmem>>) semaphore(%arg29 : memref<!tpu.dma_semaphore, #tpu.memory_space<semaphore_mem>>) {add = true}
    } else {
    }
    %eq3A_254 = arith.constant 1 : i32
    %eq3A_255 = arith.cmpi eq, %arg0, %eq3A_254 : i32
    %convert_element_type3A_256 = arith.extui %eq3A_255 : i1 to i32
    %cond3A_257 = arith.constant 0 : i32
    %cond3A_258 = arith.cmpi ne, %convert_element_type3A_256, %cond3A_257 : i32
    scf.if %cond3A_258 {
      %dma_start3A_354 = arith.constant 159 : i32
      %dma_start3A_355 = arith.constant 0 : i32
      %dma_start3A_356 = tpu.memref_slice %arg13[%dma_start3A_354, %dma_start3A_355] : memref<160x125xi32, #tpu.memory_space<vmem>> -> memref<1x125xi32, #tpu.memory_space<vmem>>
      %dma_start3A_357 = tpu.memref_squeeze %dma_start3A_356 : memref<1x125xi32, #tpu.memory_space<vmem>> -> memref<125xi32, #tpu.memory_space<vmem>>
      %dma_start3A_358 = arith.constant 0 : i32
      %dma_start3A_359 = arith.constant 0 : i32
      %dma_start3A_360 = tpu.memref_slice %arg22[%dma_start3A_358, %dma_start3A_359] : memref<10240x16xf32, #tpu.memory_space<vmem_shared>> -> memref<10240x16xf32, #tpu.memory_space<vmem_shared>>
      tpu.enqueue_indirect_dma source(%arg20 : memref<125x16xf32, #tpu.memory_space<vmem>>) target(%dma_start3A_360 : memref<10240x16xf32, #tpu.memory_space<vmem_shared>>) offsets(%dma_start3A_357 : memref<125xi32, #tpu.memory_space<vmem>>) semaphore(%arg29 : memref<!tpu.dma_semaphore, #tpu.memory_space<semaphore_mem>>) {add = true}
    } else {
    }
    %dma_wait3A_259 = arith.constant 0 : i32
    %dma_wait3A_260 = arith.constant 0 : i32
    %dma_wait3A_261 = tpu.memref_slice %arg13[%dma_wait3A_259, %dma_wait3A_260] : memref<160x125xi32, #tpu.memory_space<vmem>> -> memref<1x125xi32, #tpu.memory_space<vmem>>
    %dma_wait3A_262 = tpu.memref_squeeze %dma_wait3A_261 : memref<1x125xi32, #tpu.memory_space<vmem>> -> memref<125xi32, #tpu.memory_space<vmem>>
    %dma_wait3A_263 = arith.constant 0 : i32
    %dma_wait3A_264 = arith.constant 0 : i32
    %dma_wait3A_265 = tpu.memref_slice %arg21[%dma_wait3A_263, %dma_wait3A_264] : memref<10240x64xf32, #tpu.memory_space<vmem_shared>> -> memref<10240x64xf32, #tpu.memory_space<vmem_shared>>
    tpu.wait_indirect_dma semaphore(%arg31 : memref<!tpu.dma_semaphore, #tpu.memory_space<semaphore_mem>>) src(%arg16 : memref<125x64xf32, #tpu.memory_space<vmem>>) dst(%dma_wait3A_265 : memref<10240x64xf32, #tpu.memory_space<vmem_shared>>)
    %eq3A_266 = arith.constant 0 : i32
    %eq3A_267 = arith.cmpi eq, %arg0, %eq3A_266 : i32
    %convert_element_type3A_268 = arith.extui %eq3A_267 : i1 to i32
    %cond3A_269 = arith.constant 0 : i32
    %cond3A_270 = arith.cmpi ne, %convert_element_type3A_268, %cond3A_269 : i32
    scf.if %cond3A_270 {
      %dma_wait3A_354 = arith.constant 0 : i32
      %dma_wait3A_355 = arith.constant 0 : i32
      %dma_wait3A_356 = tpu.memref_slice %arg13[%dma_wait3A_354, %dma_wait3A_355] : memref<160x125xi32, #tpu.memory_space<vmem>> -> memref<1x125xi32, #tpu.memory_space<vmem>>
      %dma_wait3A_357 = tpu.memref_squeeze %dma_wait3A_356 : memref<1x125xi32, #tpu.memory_space<vmem>> -> memref<125xi32, #tpu.memory_space<vmem>>
      %dma_wait3A_358 = arith.constant 0 : i32
      %dma_wait3A_359 = arith.constant 0 : i32
      %dma_wait3A_360 = tpu.memref_slice %arg22[%dma_wait3A_358, %dma_wait3A_359] : memref<10240x16xf32, #tpu.memory_space<vmem_shared>> -> memref<10240x16xf32, #tpu.memory_space<vmem_shared>>
      tpu.wait_indirect_dma semaphore(%arg31 : memref<!tpu.dma_semaphore, #tpu.memory_space<semaphore_mem>>) src(%arg19 : memref<125x16xf32, #tpu.memory_space<vmem>>) dst(%dma_wait3A_360 : memref<10240x16xf32, #tpu.memory_space<vmem_shared>>)
    } else {
    }
    %eq3A_271 = arith.constant 1 : i32
    %eq3A_272 = arith.cmpi eq, %arg0, %eq3A_271 : i32
    %convert_element_type3A_273 = arith.extui %eq3A_272 : i1 to i32
    %cond3A_274 = arith.constant 0 : i32
    %cond3A_275 = arith.cmpi ne, %convert_element_type3A_273, %cond3A_274 : i32
    scf.if %cond3A_275 {
      %dma_wait3A_354 = arith.constant 0 : i32
      %dma_wait3A_355 = arith.constant 0 : i32
      %dma_wait3A_356 = tpu.memref_slice %arg13[%dma_wait3A_354, %dma_wait3A_355] : memref<160x125xi32, #tpu.memory_space<vmem>> -> memref<1x125xi32, #tpu.memory_space<vmem>>
      %dma_wait3A_357 = tpu.memref_squeeze %dma_wait3A_356 : memref<1x125xi32, #tpu.memory_space<vmem>> -> memref<125xi32, #tpu.memory_space<vmem>>
      %dma_wait3A_358 = arith.constant 0 : i32
      %dma_wait3A_359 = arith.constant 0 : i32
      %dma_wait3A_360 = tpu.memref_slice %arg22[%dma_wait3A_358, %dma_wait3A_359] : memref<10240x16xf32, #tpu.memory_space<vmem_shared>> -> memref<10240x16xf32, #tpu.memory_space<vmem_shared>>
      tpu.wait_indirect_dma semaphore(%arg31 : memref<!tpu.dma_semaphore, #tpu.memory_space<semaphore_mem>>) src(%arg20 : memref<125x16xf32, #tpu.memory_space<vmem>>) dst(%dma_wait3A_360 : memref<10240x16xf32, #tpu.memory_space<vmem_shared>>)
    } else {
    }
    %min3A_276 = arith.constant 161 : i32
    %min3A_277 = arith.constant 159 : i32
    %min3A_278 = arith.minsi %min3A_276, %min3A_277 : i32
    %dma_start3A_279 = arith.constant 0 : i32
    %dma_start3A_280 = tpu.memref_slice %arg12[%min3A_278, %dma_start3A_279] : memref<160x125xi32, #tpu.memory_space<vmem>> -> memref<1x125xi32, #tpu.memory_space<vmem>>
    %dma_start3A_281 = tpu.memref_squeeze %dma_start3A_280 : memref<1x125xi32, #tpu.memory_space<vmem>> -> memref<125xi32, #tpu.memory_space<vmem>>
    %dma_start3A_282 = arith.constant 0 : i32
    %dma_start3A_283 = arith.constant 0 : i32
    %dma_start3A_284 = tpu.memref_slice %arg4[%arg0, %dma_start3A_282, %dma_start3A_283] : memref<2x10000x64xf32, #tpu.memory_space<hbm>> -> memref<1x10000x64xf32, #tpu.memory_space<hbm>>
    %dma_start3A_285 = tpu.memref_squeeze %dma_start3A_284 : memref<1x10000x64xf32, #tpu.memory_space<hbm>> -> memref<10000x64xf32, #tpu.memory_space<hbm>>
    %dma_start3A_286 = arith.constant 0 : i32
    %dma_start3A_287 = arith.constant 0 : i32
    %dma_start3A_288 = tpu.memref_slice %dma_start3A_285[%dma_start3A_286, %dma_start3A_287] : memref<10000x64xf32, #tpu.memory_space<hbm>> -> memref<10000x64xf32, #tpu.memory_space<hbm>>
    tpu.enqueue_indirect_dma source(%dma_start3A_288 : memref<10000x64xf32, #tpu.memory_space<hbm>>) target(%arg16 : memref<125x64xf32, #tpu.memory_space<vmem>>) offsets(%dma_start3A_281 : memref<125xi32, #tpu.memory_space<vmem>>) semaphore(%arg25 : memref<!tpu.dma_semaphore, #tpu.memory_space<semaphore_mem>>)
    %eq3A_289 = arith.constant 0 : i32
    %eq3A_290 = arith.cmpi eq, %arg0, %eq3A_289 : i32
    %convert_element_type3A_291 = arith.extui %eq3A_290 : i1 to i32
    %cond3A_292 = arith.constant 0 : i32
    %cond3A_293 = arith.cmpi ne, %convert_element_type3A_291, %cond3A_292 : i32
    scf.if %cond3A_293 {
      %mul3A_354 = arith.constant 125 : i32
      %mul3A_355 = arith.muli %min3A_278, %mul3A_354 : i32
      %add3A = arith.addi %mul3A_4, %mul3A_355 : i32
      %dma_start3A_356 = arith.constant 0 : i32
      %dma_start3A_357 = tpu.memref_slice %arg5[%add3A, %dma_start3A_356] : memref<320000x16xf32, #tpu.memory_space<hbm>> -> memref<125x16xf32, #tpu.memory_space<hbm>>
      %dma_start3A_358 = arith.constant 0 : i32
      %dma_start3A_359 = tpu.memref_slice %arg5[%add3A, %dma_start3A_358] : memref<320000x16xf32, #tpu.memory_space<hbm>> -> memref<125x16xf32, #tpu.memory_space<hbm>>
      tpu.enqueue_dma source(%dma_start3A_359 : memref<125x16xf32, #tpu.memory_space<hbm>>) target(%arg19 : memref<125x16xf32, #tpu.memory_space<vmem>>) target_semaphore(%arg28 : memref<!tpu.dma_semaphore, #tpu.memory_space<semaphore_mem>>)
    } else {
    }
    %dma_wait3A_294 = arith.constant 0 : i32
    %dma_wait3A_295 = arith.constant 0 : i32
    %dma_wait3A_296 = tpu.memref_slice %arg12[%dma_wait3A_294, %dma_wait3A_295] : memref<160x125xi32, #tpu.memory_space<vmem>> -> memref<1x125xi32, #tpu.memory_space<vmem>>
    %dma_wait3A_297 = tpu.memref_squeeze %dma_wait3A_296 : memref<1x125xi32, #tpu.memory_space<vmem>> -> memref<125xi32, #tpu.memory_space<vmem>>
    %dma_wait3A_298 = arith.constant 0 : i32
    %dma_wait3A_299 = arith.constant 0 : i32
    %dma_wait3A_300 = tpu.memref_slice %arg4[%arg0, %dma_wait3A_298, %dma_wait3A_299] : memref<2x10000x64xf32, #tpu.memory_space<hbm>> -> memref<1x10000x64xf32, #tpu.memory_space<hbm>>
    %dma_wait3A_301 = tpu.memref_squeeze %dma_wait3A_300 : memref<1x10000x64xf32, #tpu.memory_space<hbm>> -> memref<10000x64xf32, #tpu.memory_space<hbm>>
    %dma_wait3A_302 = arith.constant 0 : i32
    %dma_wait3A_303 = arith.constant 0 : i32
    %dma_wait3A_304 = tpu.memref_slice %dma_wait3A_301[%dma_wait3A_302, %dma_wait3A_303] : memref<10000x64xf32, #tpu.memory_space<hbm>> -> memref<10000x64xf32, #tpu.memory_space<hbm>>
    tpu.wait_indirect_dma semaphore(%arg24 : memref<!tpu.dma_semaphore, #tpu.memory_space<semaphore_mem>>) src(%dma_wait3A_304 : memref<10000x64xf32, #tpu.memory_space<hbm>>) dst(%arg15 : memref<125x64xf32, #tpu.memory_space<vmem>>)
    %eq3A_305 = arith.constant 0 : i32
    %eq3A_306 = arith.cmpi eq, %arg0, %eq3A_305 : i32
    %convert_element_type3A_307 = arith.extui %eq3A_306 : i1 to i32
    %cond3A_308 = arith.constant 0 : i32
    %cond3A_309 = arith.cmpi ne, %convert_element_type3A_307, %cond3A_308 : i32
    scf.if %cond3A_309 {
      %dma_wait3A_354 = arith.constant 0 : i32
      %dma_wait3A_355 = arith.constant 0 : i32
      %dma_wait3A_356 = tpu.memref_slice %arg5[%dma_wait3A_354, %dma_wait3A_355] : memref<320000x16xf32, #tpu.memory_space<hbm>> -> memref<125x16xf32, #tpu.memory_space<hbm>>
      %dma_wait3A_357 = arith.constant 0 : i32
      %dma_wait3A_358 = arith.constant 0 : i32
      %dma_wait3A_359 = tpu.memref_slice %arg5[%dma_wait3A_357, %dma_wait3A_358] : memref<320000x16xf32, #tpu.memory_space<hbm>> -> memref<125x16xf32, #tpu.memory_space<hbm>>
      tpu.wait_dma2 semaphore(%arg27 : memref<!tpu.dma_semaphore, #tpu.memory_space<semaphore_mem>>) src(%dma_wait3A_359 : memref<125x16xf32, #tpu.memory_space<hbm>>) dst(%arg18 : memref<125x16xf32, #tpu.memory_space<vmem>>)
    } else {
    }
    %dma_wait3A_310 = arith.constant 0 : i32
    %dma_wait3A_311 = arith.constant 0 : i32
    %dma_wait3A_312 = tpu.memref_slice %arg12[%dma_wait3A_310, %dma_wait3A_311] : memref<160x125xi32, #tpu.memory_space<vmem>> -> memref<1x125xi32, #tpu.memory_space<vmem>>
    %dma_wait3A_313 = tpu.memref_squeeze %dma_wait3A_312 : memref<1x125xi32, #tpu.memory_space<vmem>> -> memref<125xi32, #tpu.memory_space<vmem>>
    %dma_wait3A_314 = arith.constant 0 : i32
    %dma_wait3A_315 = arith.constant 0 : i32
    %dma_wait3A_316 = tpu.memref_slice %arg4[%arg0, %dma_wait3A_314, %dma_wait3A_315] : memref<2x10000x64xf32, #tpu.memory_space<hbm>> -> memref<1x10000x64xf32, #tpu.memory_space<hbm>>
    %dma_wait3A_317 = tpu.memref_squeeze %dma_wait3A_316 : memref<1x10000x64xf32, #tpu.memory_space<hbm>> -> memref<10000x64xf32, #tpu.memory_space<hbm>>
    %dma_wait3A_318 = arith.constant 0 : i32
    %dma_wait3A_319 = arith.constant 0 : i32
    %dma_wait3A_320 = tpu.memref_slice %dma_wait3A_317[%dma_wait3A_318, %dma_wait3A_319] : memref<10000x64xf32, #tpu.memory_space<hbm>> -> memref<10000x64xf32, #tpu.memory_space<hbm>>
    tpu.wait_indirect_dma semaphore(%arg25 : memref<!tpu.dma_semaphore, #tpu.memory_space<semaphore_mem>>) src(%dma_wait3A_320 : memref<10000x64xf32, #tpu.memory_space<hbm>>) dst(%arg16 : memref<125x64xf32, #tpu.memory_space<vmem>>)
    %eq3A_321 = arith.constant 0 : i32
    %eq3A_322 = arith.cmpi eq, %arg0, %eq3A_321 : i32
    %convert_element_type3A_323 = arith.extui %eq3A_322 : i1 to i32
    %cond3A_324 = arith.constant 0 : i32
    %cond3A_325 = arith.cmpi ne, %convert_element_type3A_323, %cond3A_324 : i32
    scf.if %cond3A_325 {
      %dma_wait3A_354 = arith.constant 0 : i32
      %dma_wait3A_355 = arith.constant 0 : i32
      %dma_wait3A_356 = tpu.memref_slice %arg5[%dma_wait3A_354, %dma_wait3A_355] : memref<320000x16xf32, #tpu.memory_space<hbm>> -> memref<125x16xf32, #tpu.memory_space<hbm>>
      %dma_wait3A_357 = arith.constant 0 : i32
      %dma_wait3A_358 = arith.constant 0 : i32
      %dma_wait3A_359 = tpu.memref_slice %arg5[%dma_wait3A_357, %dma_wait3A_358] : memref<320000x16xf32, #tpu.memory_space<hbm>> -> memref<125x16xf32, #tpu.memory_space<hbm>>
      tpu.wait_dma2 semaphore(%arg28 : memref<!tpu.dma_semaphore, #tpu.memory_space<semaphore_mem>>) src(%dma_wait3A_359 : memref<125x16xf32, #tpu.memory_space<hbm>>) dst(%arg19 : memref<125x16xf32, #tpu.memory_space<vmem>>)
    } else {
    }
    %dma_wait3A_326 = arith.constant 0 : i32
    %dma_wait3A_327 = arith.constant 0 : i32
    %dma_wait3A_328 = tpu.memref_slice %arg13[%dma_wait3A_326, %dma_wait3A_327] : memref<160x125xi32, #tpu.memory_space<vmem>> -> memref<1x125xi32, #tpu.memory_space<vmem>>
    %dma_wait3A_329 = tpu.memref_squeeze %dma_wait3A_328 : memref<1x125xi32, #tpu.memory_space<vmem>> -> memref<125xi32, #tpu.memory_space<vmem>>
    %dma_wait3A_330 = arith.constant 0 : i32
    %dma_wait3A_331 = arith.constant 0 : i32
    %dma_wait3A_332 = tpu.memref_slice %arg21[%dma_wait3A_330, %dma_wait3A_331] : memref<10240x64xf32, #tpu.memory_space<vmem_shared>> -> memref<10240x64xf32, #tpu.memory_space<vmem_shared>>
    tpu.wait_indirect_dma semaphore(%arg29 : memref<!tpu.dma_semaphore, #tpu.memory_space<semaphore_mem>>) src(%arg14 : memref<125x64xf32, #tpu.memory_space<vmem>>) dst(%dma_wait3A_332 : memref<10240x64xf32, #tpu.memory_space<vmem_shared>>)
    %eq3A_333 = arith.constant 0 : i32
    %eq3A_334 = arith.cmpi eq, %arg0, %eq3A_333 : i32
    %convert_element_type3A_335 = arith.extui %eq3A_334 : i1 to i32
    %cond3A_336 = arith.constant 0 : i32
    %cond3A_337 = arith.cmpi ne, %convert_element_type3A_335, %cond3A_336 : i32
    scf.if %cond3A_337 {
      %dma_wait3A_354 = arith.constant 0 : i32
      %dma_wait3A_355 = arith.constant 0 : i32
      %dma_wait3A_356 = tpu.memref_slice %arg13[%dma_wait3A_354, %dma_wait3A_355] : memref<160x125xi32, #tpu.memory_space<vmem>> -> memref<1x125xi32, #tpu.memory_space<vmem>>
      %dma_wait3A_357 = tpu.memref_squeeze %dma_wait3A_356 : memref<1x125xi32, #tpu.memory_space<vmem>> -> memref<125xi32, #tpu.memory_space<vmem>>
      %dma_wait3A_358 = arith.constant 0 : i32
      %dma_wait3A_359 = arith.constant 0 : i32
      %dma_wait3A_360 = tpu.memref_slice %arg22[%dma_wait3A_358, %dma_wait3A_359] : memref<10240x16xf32, #tpu.memory_space<vmem_shared>> -> memref<10240x16xf32, #tpu.memory_space<vmem_shared>>
      tpu.wait_indirect_dma semaphore(%arg29 : memref<!tpu.dma_semaphore, #tpu.memory_space<semaphore_mem>>) src(%arg17 : memref<125x16xf32, #tpu.memory_space<vmem>>) dst(%dma_wait3A_360 : memref<10240x16xf32, #tpu.memory_space<vmem_shared>>)
    } else {
    }
    %eq3A_338 = arith.constant 1 : i32
    %eq3A_339 = arith.cmpi eq, %arg0, %eq3A_338 : i32
    %convert_element_type3A_340 = arith.extui %eq3A_339 : i1 to i32
    %cond3A_341 = arith.constant 0 : i32
    %cond3A_342 = arith.cmpi ne, %convert_element_type3A_340, %cond3A_341 : i32
    scf.if %cond3A_342 {
      %dma_wait3A_354 = arith.constant 0 : i32
      %dma_wait3A_355 = arith.constant 0 : i32
      %dma_wait3A_356 = tpu.memref_slice %arg13[%dma_wait3A_354, %dma_wait3A_355] : memref<160x125xi32, #tpu.memory_space<vmem>> -> memref<1x125xi32, #tpu.memory_space<vmem>>
      %dma_wait3A_357 = tpu.memref_squeeze %dma_wait3A_356 : memref<1x125xi32, #tpu.memory_space<vmem>> -> memref<125xi32, #tpu.memory_space<vmem>>
      %dma_wait3A_358 = arith.constant 0 : i32
      %dma_wait3A_359 = arith.constant 0 : i32
      %dma_wait3A_360 = tpu.memref_slice %arg22[%dma_wait3A_358, %dma_wait3A_359] : memref<10240x16xf32, #tpu.memory_space<vmem_shared>> -> memref<10240x16xf32, #tpu.memory_space<vmem_shared>>
      tpu.wait_indirect_dma semaphore(%arg29 : memref<!tpu.dma_semaphore, #tpu.memory_space<semaphore_mem>>) src(%arg20 : memref<125x16xf32, #tpu.memory_space<vmem>>) dst(%dma_wait3A_360 : memref<10240x16xf32, #tpu.memory_space<vmem_shared>>)
    } else {
    }
    %barrier3A_343 = arith.constant 0 : index
    tpu.barrier barrier_id(%barrier3A_343)
    "tpu.region"() ({
      %run_scoped3A = tpu.sem_alloc : memref<!tpu.dma_semaphore, #tpu.memory_space<semaphore_mem>>
      %dma_start3A_354 = arith.constant 0 : i32
      %dma_start3A_355 = arith.constant 0 : i32
      %dma_start3A_356 = tpu.memref_slice %arg9[%arg0, %dma_start3A_354, %dma_start3A_355] : memref<2x10240x64xf32, #tpu.memory_space<hbm>> -> memref<1x10240x64xf32, #tpu.memory_space<hbm>>
      %dma_start3A_357 = tpu.memref_squeeze %dma_start3A_356 : memref<1x10240x64xf32, #tpu.memory_space<hbm>> -> memref<10240x64xf32, #tpu.memory_space<hbm>>
      %dma_start3A_358 = arith.constant 0 : i32
      %dma_start3A_359 = tpu.memref_slice %dma_start3A_357[%mul3A_0, %dma_start3A_358] : memref<10240x64xf32, #tpu.memory_space<hbm>> -> memref<640x64xf32, #tpu.memory_space<hbm>>
      %dma_start3A_360 = arith.constant 0 : i32
      %dma_start3A_361 = tpu.memref_slice %arg21[%mul3A_0, %dma_start3A_360] : memref<10240x64xf32, #tpu.memory_space<vmem_shared>> -> memref<640x64xf32, #tpu.memory_space<vmem_shared>>
      tpu.enqueue_dma source(%dma_start3A_361 : memref<640x64xf32, #tpu.memory_space<vmem_shared>>) target(%dma_start3A_359 : memref<640x64xf32, #tpu.memory_space<hbm>>) target_semaphore(%run_scoped3A : memref<!tpu.dma_semaphore, #tpu.memory_space<semaphore_mem>>)
      %dma_wait3A_362 = arith.constant 0 : i32
      %dma_wait3A_363 = arith.constant 0 : i32
      %dma_wait3A_364 = tpu.memref_slice %arg9[%arg0, %dma_wait3A_362, %dma_wait3A_363] : memref<2x10240x64xf32, #tpu.memory_space<hbm>> -> memref<1x10240x64xf32, #tpu.memory_space<hbm>>
      %dma_wait3A_365 = tpu.memref_squeeze %dma_wait3A_364 : memref<1x10240x64xf32, #tpu.memory_space<hbm>> -> memref<10240x64xf32, #tpu.memory_space<hbm>>
      %dma_wait3A_366 = arith.constant 0 : i32
      %dma_wait3A_367 = tpu.memref_slice %dma_wait3A_365[%mul3A_0, %dma_wait3A_366] : memref<10240x64xf32, #tpu.memory_space<hbm>> -> memref<640x64xf32, #tpu.memory_space<hbm>>
      %dma_wait3A_368 = arith.constant 0 : i32
      %dma_wait3A_369 = tpu.memref_slice %arg21[%mul3A_0, %dma_wait3A_368] : memref<10240x64xf32, #tpu.memory_space<vmem_shared>> -> memref<640x64xf32, #tpu.memory_space<vmem_shared>>
      tpu.wait_dma2 semaphore(%run_scoped3A : memref<!tpu.dma_semaphore, #tpu.memory_space<semaphore_mem>>) src(%dma_wait3A_369 : memref<640x64xf32, #tpu.memory_space<vmem_shared>>) dst(%dma_wait3A_367 : memref<640x64xf32, #tpu.memory_space<hbm>>)
      tpu.yield
    }) : () -> ()
    %eq3A_344 = arith.constant 0 : i32
    %eq3A_345 = arith.cmpi eq, %arg0, %eq3A_344 : i32
    %convert_element_type3A_346 = arith.extui %eq3A_345 : i1 to i32
    %cond3A_347 = arith.constant 0 : i32
    %cond3A_348 = arith.cmpi ne, %convert_element_type3A_346, %cond3A_347 : i32
    scf.if %cond3A_348 {
      "tpu.region"() ({
        %run_scoped3A = tpu.sem_alloc : memref<!tpu.dma_semaphore, #tpu.memory_space<semaphore_mem>>
        %dma_start3A_354 = arith.constant 0 : i32
        %dma_start3A_355 = tpu.memref_slice %arg10[%mul3A_0, %dma_start3A_354] : memref<10240x16xf32, #tpu.memory_space<hbm>> -> memref<640x16xf32, #tpu.memory_space<hbm>>
        %dma_start3A_356 = arith.constant 0 : i32
        %dma_start3A_357 = tpu.memref_slice %arg22[%mul3A_0, %dma_start3A_356] : memref<10240x16xf32, #tpu.memory_space<vmem_shared>> -> memref<640x16xf32, #tpu.memory_space<vmem_shared>>
        tpu.enqueue_dma source(%dma_start3A_357 : memref<640x16xf32, #tpu.memory_space<vmem_shared>>) target(%dma_start3A_355 : memref<640x16xf32, #tpu.memory_space<hbm>>) target_semaphore(%run_scoped3A : memref<!tpu.dma_semaphore, #tpu.memory_space<semaphore_mem>>)
        %dma_wait3A_358 = arith.constant 0 : i32
        %dma_wait3A_359 = tpu.memref_slice %arg10[%mul3A_0, %dma_wait3A_358] : memref<10240x16xf32, #tpu.memory_space<hbm>> -> memref<640x16xf32, #tpu.memory_space<hbm>>
        %dma_wait3A_360 = arith.constant 0 : i32
        %dma_wait3A_361 = tpu.memref_slice %arg22[%mul3A_0, %dma_wait3A_360] : memref<10240x16xf32, #tpu.memory_space<vmem_shared>> -> memref<640x16xf32, #tpu.memory_space<vmem_shared>>
        tpu.wait_dma2 semaphore(%run_scoped3A : memref<!tpu.dma_semaphore, #tpu.memory_space<semaphore_mem>>) src(%dma_wait3A_361 : memref<640x16xf32, #tpu.memory_space<vmem_shared>>) dst(%dma_wait3A_359 : memref<640x16xf32, #tpu.memory_space<hbm>>)
        tpu.yield
      }) : () -> ()
    } else {
    }
    %eq3A_349 = arith.constant 1 : i32
    %eq3A_350 = arith.cmpi eq, %arg0, %eq3A_349 : i32
    %convert_element_type3A_351 = arith.extui %eq3A_350 : i1 to i32
    %cond3A_352 = arith.constant 0 : i32
    %cond3A_353 = arith.cmpi ne, %convert_element_type3A_351, %cond3A_352 : i32
    scf.if %cond3A_353 {
      "tpu.region"() ({
        %run_scoped3A = tpu.sem_alloc : memref<!tpu.dma_semaphore, #tpu.memory_space<semaphore_mem>>
        %dma_start3A_354 = arith.constant 0 : i32
        %dma_start3A_355 = tpu.memref_slice %arg11[%mul3A_0, %dma_start3A_354] : memref<10240x16xf32, #tpu.memory_space<hbm>> -> memref<640x16xf32, #tpu.memory_space<hbm>>
        %dma_start3A_356 = arith.constant 0 : i32
        %dma_start3A_357 = tpu.memref_slice %arg22[%mul3A_0, %dma_start3A_356] : memref<10240x16xf32, #tpu.memory_space<vmem_shared>> -> memref<640x16xf32, #tpu.memory_space<vmem_shared>>
        tpu.enqueue_dma source(%dma_start3A_357 : memref<640x16xf32, #tpu.memory_space<vmem_shared>>) target(%dma_start3A_355 : memref<640x16xf32, #tpu.memory_space<hbm>>) target_semaphore(%run_scoped3A : memref<!tpu.dma_semaphore, #tpu.memory_space<semaphore_mem>>)
        %dma_wait3A_358 = arith.constant 0 : i32
        %dma_wait3A_359 = tpu.memref_slice %arg11[%mul3A_0, %dma_wait3A_358] : memref<10240x16xf32, #tpu.memory_space<hbm>> -> memref<640x16xf32, #tpu.memory_space<hbm>>
        %dma_wait3A_360 = arith.constant 0 : i32
        %dma_wait3A_361 = tpu.memref_slice %arg22[%mul3A_0, %dma_wait3A_360] : memref<10240x16xf32, #tpu.memory_space<vmem_shared>> -> memref<640x16xf32, #tpu.memory_space<vmem_shared>>
        tpu.wait_dma2 semaphore(%run_scoped3A : memref<!tpu.dma_semaphore, #tpu.memory_space<semaphore_mem>>) src(%dma_wait3A_361 : memref<640x16xf32, #tpu.memory_space<vmem_shared>>) dst(%dma_wait3A_359 : memref<640x16xf32, #tpu.memory_space<hbm>>)
        tpu.yield
      }) : () -> ()
    } else {
    }
    return
  }
}

module attributes {stable_mosaic.version = 14 : i64} {
  func.func @_finish_body(%arg0: memref<2x10240x64xf32, #tpu.memory_space<vmem>>, %arg1: memref<10240x16xf32, #tpu.memory_space<vmem>>, %arg2: memref<10240x16xf32, #tpu.memory_space<vmem>>, %arg3: memref<128x128xf32, #tpu.memory_space<vmem>>, %arg4: memref<16x128xf32, #tpu.memory_space<vmem>>, %arg5: memref<1x128xf32, #tpu.memory_space<vmem>>, %arg6: memref<10000x128xf32, #tpu.memory_space<vmem>>) attributes {dimension_semantics = [], scalar_prefetch = 0 : i64, scratch_operands = 0 : i64, tpu.core_type = #tpu.core_type<tc>} {
    %get3A = arith.constant 0 : index
    %get3A_0 = arith.constant 0 : index
    %get3A_1 = arith.constant 0 : index
    %get3A_2 = vector.load %arg0[%get3A, %get3A_0, %get3A_1] : memref<2x10240x64xf32, #tpu.memory_space<vmem>>, vector<1x10000x64xf32>
    %get3A_3 = vector.shape_cast %get3A_2 : vector<1x10000x64xf32> to vector<10000x64xf32>
    %get3A_4 = arith.constant 1 : index
    %get3A_5 = arith.constant 0 : index
    %get3A_6 = arith.constant 0 : index
    %get3A_7 = vector.load %arg0[%get3A_4, %get3A_5, %get3A_6] : memref<2x10240x64xf32, #tpu.memory_space<vmem>>, vector<1x10000x64xf32>
    %get3A_8 = vector.shape_cast %get3A_7 : vector<1x10000x64xf32> to vector<10000x64xf32>
    %get3A_9 = arith.constant 0 : index
    %get3A_10 = arith.constant 0 : index
    %get3A_11 = vector.load %arg1[%get3A_9, %get3A_10] : memref<10240x16xf32, #tpu.memory_space<vmem>>, vector<10000x16xf32>
    %get3A_12 = arith.constant 0 : index
    %get3A_13 = arith.constant 0 : index
    %get3A_14 = vector.load %arg2[%get3A_12, %get3A_13] : memref<10240x16xf32, #tpu.memory_space<vmem>>, vector<10000x1xf32>
    %get3A_15 = arith.constant 0 : index
    %get3A_16 = arith.constant 0 : index
    %get3A_17 = vector.load %arg3[%get3A_15, %get3A_16] : memref<128x128xf32, #tpu.memory_space<vmem>>, vector<64x128xf32>
    %dot_general3A = arith.constant dense<0.000000e+00> : vector<10000x128xf32>
    %dot_general3A_18 = tpu.matmul %get3A_3, %get3A_17, %dot_general3A {dimension_numbers = #tpu.dot_dimension_numbers<[1], [0], [0], [1], [0, 0, 1, 1], [], []>, transpose_lhs_hint = false} : vector<10000x64xf32>, vector<64x128xf32>, vector<10000x128xf32> -> vector<10000x128xf32>
    %get3A_19 = arith.constant 64 : index
    %get3A_20 = arith.constant 0 : index
    %get3A_21 = vector.load %arg3[%get3A_19, %get3A_20] : memref<128x128xf32, #tpu.memory_space<vmem>>, vector<64x128xf32>
    %dot_general3A_22 = arith.constant dense<0.000000e+00> : vector<10000x128xf32>
    %dot_general3A_23 = tpu.matmul %get3A_8, %get3A_21, %dot_general3A_22 {dimension_numbers = #tpu.dot_dimension_numbers<[1], [0], [0], [1], [0, 0, 1, 1], [], []>, transpose_lhs_hint = false} : vector<10000x64xf32>, vector<64x128xf32>, vector<10000x128xf32> -> vector<10000x128xf32>
    %add3A = arith.addf %dot_general3A_18, %dot_general3A_23 : vector<10000x128xf32>
    %get3A_24 = arith.constant 0 : index
    %get3A_25 = arith.constant 0 : index
    %get3A_26 = vector.load %arg4[%get3A_24, %get3A_25] : memref<16x128xf32, #tpu.memory_space<vmem>>, vector<16x128xf32>
    %dot_general3A_27 = arith.constant dense<0.000000e+00> : vector<10000x128xf32>
    %dot_general3A_28 = tpu.matmul %get3A_11, %get3A_26, %dot_general3A_27 {dimension_numbers = #tpu.dot_dimension_numbers<[1], [0], [0], [1], [0, 0, 1, 1], [], []>, transpose_lhs_hint = false} : vector<10000x16xf32>, vector<16x128xf32>, vector<10000x128xf32> -> vector<10000x128xf32>
    %add3A_29 = arith.addf %add3A, %dot_general3A_28 : vector<10000x128xf32>
    %get3A_30 = arith.constant 0 : index
    %get3A_31 = arith.constant 0 : index
    %get3A_32 = vector.load %arg5[%get3A_30, %get3A_31] : memref<1x128xf32, #tpu.memory_space<vmem>>, vector<1x128xf32>
    %mul3A = vector.broadcast %get3A_14 : vector<10000x1xf32> to vector<10000x128xf32>
    %mul3A_33 = vector.broadcast %get3A_32 : vector<1x128xf32> to vector<10000x128xf32>
    %mul3A_34 = arith.mulf %mul3A, %mul3A_33 : vector<10000x128xf32>
    %add3A_35 = arith.addf %add3A_29, %mul3A_34 : vector<10000x128xf32>
    %max3A = arith.constant 1.000000e+00 : f32
    %max3A_36 = vector.broadcast %max3A : f32 to vector<10000x1xf32>
    %max3A_37 = arith.maximumf %get3A_14, %max3A_36 : vector<10000x1xf32>
    %div3A = vector.broadcast %max3A_37 : vector<10000x1xf32> to vector<10000x128xf32>
    %div3A_38 = arith.divf %add3A_35, %div3A : vector<10000x128xf32>
    %swap3A = arith.constant 0 : index
    %swap3A_39 = arith.constant 0 : index
    %swap3A_40 = vector.load %arg6[%swap3A, %swap3A_39] : memref<10000x128xf32, #tpu.memory_space<vmem>>, vector<10000x128xf32>
    tpu.vector_store %arg6[%swap3A, %swap3A_39], %div3A_38 {strides = array<i32>} : memref<10000x128xf32, #tpu.memory_space<vmem>>, vector<10000x128xf32>,
    return
  }
}

</mosaic_0001>

<sc_bundles>
// kernel: kernel.4.cloned.1.call-start
scs
__scs_entry_jumppad:
0x0: {  	(pc) =	sbr.rel $0x88, $3  }
0x1: {  	(tag) =	ssettag $0x0;
	lr =	simm.s32 $0x1  }
0x2: {  	[smem:$0x3F9C] =	sst lr;
	_ =	strace $0xD0000000  }
0x3: {  	_ = 	snop  }
0x4: {  	_ = 	snop  }
0x5: {  	_ = 	snop  }
0x6: {  	_ = 	snop  }
0x7: {  	_ = 	snop  }
__scs_overlays_trampoline_lowered:
0x8: {  	[smem:$0x3FAB] =	sst s0  }
0x9: {  	[smem:$0x3FAC] =	sst s1  }
0xa: {  	[smem:$0x3FAD] =	sst s2  }
0xb: {  	[smem:$0x3FAE] =	sst s3  }
0xc: {  	[smem:$0x3FAF] =	sst s4  }
0xd: {  	[smem:$0x3FB0] =	sst s5  }
0xe: {  	[smem:$0x3FB1] =	sst s6  }
0xf: {  	[smem:$0x3FB2] =	sst s7  }
0x10: {  	[smem:$0x3FB3] =	sst s8  }
0x11: {  	[smem:$0x3FB4] =	sst s9;
	s0 =	simm.s32 @!p0 $0x0  }
0x12: {  	s1 =	sld [smem:$0x3F9A];
	s0 =	simm.s32 @p0 $0x1  }
0x13: {  	[smem:$0x3FB5] =	sst s0;
	s0 =	simm.s32 @!p1 $0x0  }
0x14: {  	s2 =	sld [smem:$0x3F99];
	s0 =	simm.s32 @p1 $0x1  }
0x15: {  	[smem:$0x3FB6] =	sst s0;
	s0 =	simm.s32 @!p2 $0x0  }
0x16: {  	s3 =	sld [smem:$0x3FDB];
	s0 =	simm.s32 @p2 $0x1  }
0x17: {  	s4 =	simm.s32 $0x1BF5;
	[smem:$0x3FB8] =	sst s0  }
0x18: {  	s0 =	sld [smem:$0x3F9B];
	_ =	swait.ge [sflag:s4], $0x0  }
0x19: {  	s7 =	sld [smem:$0x3F9C]  }
0x1a: {  	s8 =	sadd.s32 $0xFFFFE003, lr  }
0x1b: {  	s9 =	sadd.s32 $0xFFFFFEF7, lr;
	s5 =	simm.s32 $0xFFFFFFFF;
	p2 =	slt.u32 s8, $0xFFFFF086  }
0x1c: {  	p1 =	slt.u32 s9, $0xF7A;
	s5 =	simm.s32 @!p2 $0x0  }
0x1d: {  	s5 =	simm.s32 @p1 $0x1;
	p0 =	seq.s32 s7, s2  }
0x1e: {  	s7 =	smul.u32 @!p0 $0xF7A, s2;
	p2 =	seq.s32 @!p0 s5, $0x0  }
0x1f: {  	s9 =	smul.u32 $0xF7A, s1;
	s8 =	simm.s32 @!p0 $0x1BF5;
	p2 =	por !p2, p0  }
0x20: {  	[sflag:s8] =	ssyncset.s32 @!p0 $0xFFFFF086;
	s6 =	sadd.s32 @!p0 s3, s7;
	s7 =	simm.s32 @!p0 $0x108  }
0x21: {  	s3 =	sadd.s32 s3, s9;
	s6 =	sadd.s32 @!p0 $0x88, s6;
	s7 =	simm.s32 @p2 $0x1082  }
0x22: {  	[simem:s7], [sflag:s8] =	dma.local @!p0 [hbm:s6], $0xF7A  }
0x23: {  	s9 =	sor.u32 $0xD0000000, s2;
	s6 =	simm.s32 $0x108;
	_ =	swait.ge @!p0 [sflag:s8], $0x0  }
0x24: {  	s3 =	sadd.s32 $0x88, s3;
	s6 =	simm.s32 @!p1 $0x1082;
	[sflag:s4] =	ssyncset.s32 $0xFFFFF086  }
0x25: {  	[simem:s6], [sflag:s4] =	dma.local [hbm:s3], $0xF7A  }
0x26: {  	[smem:$0x3F9C] =	sst s1;
	(tag) =	ssettag s2;
	_ =	strace s9  }
0x27: {  	s1 =	sld [smem:$0x3FAC]  }
0x28: {  	s2 =	sld [smem:$0x3FAD]  }
0x29: {  	s4 =	sld [smem:$0x3FAF]  }
0x2a: {  	p0 =	seq.s32 s5, $0x0;
	s5 =	sld [smem:$0x3FB0]  }
0x2b: {  	s6 =	sld [smem:$0x3FB1]  }
0x2c: {  	s7 =	sld [smem:$0x3FB2]  }
0x2d: {  	s3 =	simm.s32 $0x108;
	s8 =	sld [smem:$0x3FB3]  }
0x2e: {  	s3 =	simm.s32 @!p0 $0x1082;
	s9 =	sld [smem:$0x3FB4]  }
0x2f: {  	lr =	sadd.s32 s0, s3;
	s0 =	sld [smem:$0x3FAB]  }
0x30: {  	s3 =	sld [smem:$0x3FAE]  }
0x31: {  	[smem:$0x3FB7] =	sst s10  }
0x32: {  	s10 =	sld [smem:$0x3FB5];
	_ =	sdelay $0x3  }
0x33: {  	p0 =	seq.s32 s10, $0x1;
	s10 =	sld [smem:$0x3FB7];
	_ =	sdelay $0x3  }
0x34: {  	[smem:$0x3FB7] =	sst s10  }
0x35: {  	s10 =	sld [smem:$0x3FB6];
	_ =	sdelay $0x3  }
0x36: {  	p1 =	seq.s32 s10, $0x1;
	s10 =	sld [smem:$0x3FB7];
	_ =	sdelay $0x3  }
0x37: {  	[smem:$0x3FB7] =	sst s10  }
0x38: {  	s10 =	sld [smem:$0x3FB8]  }
0x39: {  	_ = 	snop;
	(pc) =	sbr.ind lr, $3  }
0x3a: {  	_ = 	snop  }
0x3b: {  	_ = 	snop  }
0x3c: {  	p2 =	seq.s32 s10, $0x1;
	s10 =	sld [smem:$0x3FB7]  }
0x3d: {  	_ =	shalt  }
0x3e: {  	_ =	shalt  }
0x3f: {  	_ =	shalt  }
0x40: {  	_ =	shalt  }
0x41: {  	_ =	shalt  }
0x42: {  	_ =	shalt  }
0x43: {  	_ =	shalt  }
0x44: {  	_ =	shalt  }
0x45: {  	_ =	shalt  }
0x46: {  	_ =	shalt  }
0x47: {  	_ =	shalt  }
0x48: {  	_ =	shalt  }
0x49: {  	_ =	shalt  }
0x4a: {  	_ =	shalt  }
0x4b: {  	_ =	shalt  }
0x4c: {  	_ =	shalt  }
0x4d: {  	_ =	shalt  }
0x4e: {  	_ =	shalt  }
0x4f: {  	_ =	shalt  }
0x50: {  	_ =	shalt  }
0x51: {  	_ =	shalt  }
0x52: {  	_ =	shalt  }
0x53: {  	_ =	shalt  }
0x54: {  	_ =	shalt  }
0x55: {  	_ =	shalt  }
0x56: {  	_ =	shalt  }
0x57: {  	_ =	shalt  }
0x58: {  	_ =	shalt  }
0x59: {  	_ =	shalt  }
0x5a: {  	_ =	shalt  }
0x5b: {  	_ =	shalt  }
0x5c: {  	_ =	shalt  }
0x5d: {  	_ =	shalt  }
0x5e: {  	_ =	shalt  }
0x5f: {  	_ =	shalt  }
0x60: {  	_ =	shalt  }
0x61: {  	_ =	shalt  }
0x62: {  	_ =	shalt  }
0x63: {  	_ =	shalt  }
0x64: {  	_ =	shalt  }
0x65: {  	_ =	shalt  }
0x66: {  	_ =	shalt  }
0x67: {  	_ =	shalt  }
0x68: {  	_ =	shalt  }
0x69: {  	_ =	shalt  }
0x6a: {  	_ =	shalt  }
0x6b: {  	_ =	shalt  }
0x6c: {  	_ =	shalt  }
0x6d: {  	_ =	shalt  }
0x6e: {  	_ =	shalt  }
0x6f: {  	_ =	shalt  }
0x70: {  	_ =	shalt  }
0x71: {  	_ =	shalt  }
0x72: {  	_ =	shalt  }
0x73: {  	_ =	shalt  }
0x74: {  	_ =	shalt  }
0x75: {  	_ =	shalt  }
0x76: {  	_ =	shalt  }
0x77: {  	_ =	shalt  }
0x78: {  	_ =	shalt  }
0x79: {  	_ =	shalt  }
0x7a: {  	_ =	shalt  }
0x7b: {  	_ =	shalt  }
0x7c: {  	_ =	shalt  }
0x7d: {  	_ =	shalt  }
0x7e: {  	_ =	shalt  }
0x7f: {  	_ =	shalt  }
0x80: {  	_ =	shalt  }
0x81: {  	_ =	shalt  }
0x82: {  	_ =	shalt  }
0x83: {  	_ =	shalt  }
0x84: {  	_ =	shalt  }
0x85: {  	_ =	shalt  }
0x86: {  	_ =	shalt  }
0x87: {  	_ =	shalt  }
.Lfunc_end0:
.L_simem_size_0:
called_computation_lowered:
.L_overlay_start_0:
0x88: {  	s2 =	sld [smem:$0x3FD9]  }
0x89: {  	s3 =	sld [smem:$0x3FFE];
	_ =	sdelay $0x1  }
0x8a: {  	s1 =	srdreg.scid  }
0x8b: {  	s0 =	sand.u32 $0x1, s1  }
0x8c: {  	s17 =	sshll.u32 s0, $0xA;
	s2 =	sadd.s32 s3, s2  }
0x8d: {  	s2 =	sadd.s32 s2, s17  }
0x8e: {  	[smem:$0x3FC3] =	sst s2  }
0x8f: {  	_ = 	snop  }
0x90: {  	s2 =	sld [smem:$0x3FD0];
	(tm) =	ssettm $0x1  }
0x91: {  	s18 =	sld [smem:$0x3FFB];
	_ =	sdelay $0x3  }
0x92: {  	_ =	strace s18  }
0x93: {  	s3 =	sld [smem:$0x3FFC];
	_ =	sdelay $0x3  }
0x94: {  	_ =	strace s3  }
0x95: {  	s3 =	sld [smem:$0x3FFD];
	_ =	sdelay $0x3  }
0x96: {  	_ =	strace s3  }
0x97: {  	_ =	strace $0x8FFFFFFF  }
0x98: {  	s19 =	sld [smem:$0x3FDB];
	_ =	sdelay $0x1  }
0x99: {  	s4 =	simm.s32 $_scs_section_size  }
0x9a: {  	s5 =	simm.s32 $_size__tile_overlayer_lowered;
	s6 =	simm.s32 $_tile_overlayer_lowered  }
0x9b: {  	s22 =	simm.s32 $0x1BFF;
	s21 =	sshll.u32 s6, $0x1;
	s3 =	sadd.s32 s4, s19  }
0x9c: {  	s7 =	simm.s32 $0x0;
	s20 =	sshll.u32 s5, $0x1;
	s5 =	sadd.s32 s21, s3  }
0x9d: {  	[timem:s7], [sflag:s22] =	dma.local [hbm:s5], s20  }
0x9e: {  	_ =	swait.ge [sflag:s22], s20  }
0x9f: {  	s4 =	ssub.s32 $0x0, s20;
	[sflag:s22] =	ssyncset.done $0x0  }
0xa0: {  	[sflag:s22] =	ssyncadd.s32 s4;
	_ =	sdelay $0x1  }
0xa1: {  	s23 =	simm.s32 $0x1B8B  }
0xa2: {  	_ =	swait.ge [sflag:s23], $0x1  }
0xa3: {  	[sflag:s23] =	ssyncset.done $0x0  }
0xa4: {  	s25 =	simm.s32 $0x1B8E;
	s24 =	sld [smem:$0x3FFE];
	[sflag:s23] =	ssyncadd.s32 $0xFFFFFFFF  }
0xa5: {  	s26 =	simm.s32 $execute0_lowered;
	[smem:$0x3FD2] =	sst s25  }
0xa6: {  	s5 =	sshll.u32 s26, $0x1;
	_ =	strace $0x80000046;
	[dreg:$0x1] =	wrdreg $0xFFFFFFFF  }
0xa7: {  	s28 =	simm.s32 $_size_execute0_lowered;
	s3 =	sadd.s32 s3, s5;
	[dreg:$0x0] =	wrdreg $0x0  }
0xa8: {  	s5 =	sshll.u32 s28, $0x1;
	[dreg:$0x2] =	wrdreg s3  }
0xa9: {  	[dreg:$0x3] =	wrdreg s5  }
0xaa: {  	[dreg:$0x4] =	wrdreg $0xC0  }
0xab: {  	_ =	task [dreg:s7], $0x5FFFF  }
0xac: {  	[dreg:$0x1] =	wrdreg $0xFFFFFFFF  }
0xad: {  	[dreg:$0x0] =	wrdreg $0x60  }
0xae: {  	[dreg:$0x2] =	wrdreg s24  }
0xaf: {  	[dreg:$0x3] =	wrdreg s2  }
0xb0: {  	[dreg:$0x4] =	wrdreg $0x11D000  }
0xb1: {  	[dreg:$0x5] =	wrdreg $0x1BD000  }
0xb2: {  	[dreg:$0x6] =	wrdreg $0x9  }
0xb3: {  	_ =	task.clear_ibuf [dreg:s7], $0x7FFFF;
	_ =	strace $0x90000046  }
0xb4: {  	s29 =	simm.s32 $0x9;
	_ =	strace $0x80000048  }
0xb5: {  	_ =	swait.ge [sflag:s29], $0x1  }
0xb6: {  	[sflag:s29] =	ssyncadd.s32 $0xFFFFFFFF  }
0xb7: {  	_ =	strace $0x90000048  }
0xb8: {  	_ =	sfence  }
0xb9: {  	s30 =	sld [smem:$0x0];
	_ =	sdelay $0x2  }
0xba: {  	s31 =	sshll.u32 s1, $0xD;
	s1 =	sshrl.u32 s1, $0x2  }
0xbb: {  	s3 =	sand.u32 $0x4000, s31;
	s1 =	sadd.s32 s1, s30  }
0xbc: {  	s0 =	sor.u32 s3, s0;
	s1 =	sshll.u32 s1, $0x11  }
0xbd: {  	s0 =	sor.u32 s1, s0  }
0xbe: {  	s0 =	sadd.s32 $0x8F2B, s0  }
0xbf: {  	[sflag:s0] =	ssyncadd.remote.s32 $0x1  }
0xc0: {  	_ =	sfence.sel $0xFFFF  }
0xc1: {  	[dreg:$0x0] =	wrdreg $0xFFFFFFFF;
	(pc) =	sbr.abs _section_cstart, $3  }
0xc2: {  	[dreg:$0x1] =	wrdreg $0xFFFFFFFF  }
0xc3: {  	_ =	task.clear_ibuf [dreg:s7], $0x2FFFF;
	_ =	strace $0x9FFFFFFF  }
0xc4: {  	(tm) =	ssettm $0x7FFFFFFF  }
0xc5: {  	_ =	shalt  }
tec
execute0_lowered:
.L_overlay_start_1:
0x0: {  	(tag) =	ssettag $0x1  }
0x1: {  	s0 =	rddreg [dreg:$0x0]  }
0x2: {  	s2 =	rddreg [dreg:$0x1]  }
0x3: {  	s1 =	rddreg [dreg:$0x2]  }
0x4: {  	s3 =	rddreg [dreg:$0x3];
	s4 =	simm.s32 $0x0  }
0x5: {  	s17 =	stileid.u32;
	s6 =	srdreg.scid;
	s29 =	simm.s32 $0x7D  }
0x6: {  	s30 =	simm.s32 $0xA000;
	s31 =	simm.s32 $0xFDC0;
	s5 =	smul.u32 $0xA00, s17  }
0x7: {  	[smem:$0x7FF] =	sst s4;
	s6 =	sand.u32 $0x1, s6;
	s12 =	smul.u32 $0xA000, s17  }
0x8: {  	s9 =	sadd.s32 $0x15000, s0;
	s22 =	sadd.s32 $0x16400, s0;
	s13 =	smul.u32 $0x2800, s17  }
0x9: {  	s25 =	smul.u32 $0x4E200, s17;
	_ =	strace $0x80000047;
	[dreg:$0x5] =	wrdreg s9  }
0xa: {  	s23 =	sadd.s32 $0x16A00, s0;
	s18 =	smul.u32 $0x9C40, s17;
	[dreg:$0x6] =	wrdreg s22  }
0xb: {  	s24 =	sshll.u32 s17, $0x6;
	s8 =	smul.u32 $0x14000, s6;
	[dreg:$0x7] =	wrdreg s23  }
0xc: {  	s9 =	sadd.s32 $0x43C00, s0;
	s10 =	ssub.s32 $0x2, s6;
	s28 =	smul.u32 $0x13880, s6  }
0xd: {  	p0 =	sne.s32 s6, $0x0;
	p1 =	seq.s32 s6, $0x0;
	s6 =	simm.s32 $0x5  }
0xe: {  	s7 =	sadd.s32 s5, s0;
	s5 =	sadd.s32 $0x4F7000, s0;
	s11 =	sshrl.u32 s10, $0x1  }
0xf: {  	s14 =	sadd.s32 s12, s1;
	s15 =	sadd.s32 s13, s3;
	s16 =	sshrl.u32 s25, $0x3  }
0x10: {  	s23 =	sshrl.u32 s12, $0x3;
	s25 =	sshrl.u32 s13, $0x3;
	s13 =	simm.s32 $0x8  }
0x11: {  	s8 =	sadd.s32 s8, s0;
	s0 =	sadd.s32 $0x3EC00, s0;
	[dreg:$0x8] =	wrdreg s14  }
0x12: {  	s11 =	ssub.s32 s10, s11;
	s10 =	sor.u32 $0x1C0A, s24;
	[dreg:$0x9] =	wrdreg s15  }
0x13: {  	s26 =	sadd.s32 $0xB000, s7;
	s7 =	sadd.s32 $0x1000, s7;
	s14 =	smul.u32 $0x4E20, s17  }
0x14: {  	s15 =	sadd.s32 s2, s28;
	s19 =	sadd.s32 s5, s16;
	[dreg:$0xa] =	wrdreg s26  }
0x15: {  	s17 =	simm.s32 $0x10590;
	[dreg:$0xb] =	wrdreg s7;
	s16 =	sadd.s32 $0xFA, s19  }
0x16: {  	s7 =	sadd.s32 s5, s18;
	s20 =	sadd.s32 $0x1F4, s19;
	[dreg:$0xd] =	wrdreg s16  }
0x17: {  	s9 =	smov.u32 @p0 s0;
	s21 =	sadd.s32 $0x2EE, s19;
	[dreg:$0xe] =	wrdreg s20  }
0x18: {  	s22 =	sadd.s32 $0x16C00, s8;
	s24 =	sadd.s32 $0x3E8, s19;
	[dreg:$0xf] =	wrdreg s21  }
0x19: {  	s2 =	sadd.s32 $0x9B46, s19;
	s26 =	smax.u32 s11, $0x1;
	[dreg:$0x11] =	wrdreg s24  }
0x1a: {  	s18 =	simm.s32 $0x1;
	s19 =	simm.s32 $0x4;
	[dreg:$0x12] =	wrdreg s2  }
0x1b: {  	s8 =	simm.s32 $0x7;
	s11 =	simm.s32 $0x6;
	[dreg:$0x13] =	wrdreg s26  }
0x1c: {  	s0 =	sadd.s32 s23, s22;
	[dreg:$0xc] =	wrdreg s7;
	s28 =	sadd.s32 $0x5DC, s7  }
.Ltmp0:
0x1d: {  	s26 =	simm.s32 $0xA;
	s2 =	simm.s32 $0xBF40;
	(pc) =	sbr.rel .LBB2_1-.Ltmp0, $4  }
0x1e: {  	s21 =	simm.s32 $0x10D60;
	s16 =	simm.s32 $0x2;
	s20 =	simm.s32 $0x9  }
0x1f: {  	s22 =	simm.s32 $0x11530;
	s23 =	simm.s32 $0x0;
	[dreg:$0x10] =	wrdreg s0  }
0x20: {  	s0 =	sadd.s32 s9, s25;
	[dreg:$0x15] =	wrdreg s28;
	s25 =	simm.s32 $0x5000  }
0x21: {  	s9 =	simm.s32 $0x3;
	[dreg:$0x14] =	wrdreg s0;
	s0 =	simm.s32 $0xDE80  }
.LBB2_9:
0x22: {  	_ =	swait.ge [sflag:s18], $0x1F40  }
0x23: {  	s7 =	simm.s32 @p0 $0x7D;
	[sflag:s18] =	ssyncset.done $0x0  }
0x24: {  	s12 =	simm.s32 @p0 $0x9F80;
	s24 =	simm.s32 @p0 $0xA000;
	[sflag:s18] =	ssyncadd.s32 $0xFFFFE0C0  }
0x25: {  	[spmem:s1] =	stream.indirect.scatter.add.f32 @p0 [tilespmem:s24], [sflag:$0x7], $0x40, s12, s7, $0xb8;
	[tilespmem:$0x1E500] =	vst v63  }
0x26: {  	s24 =	simm.s32 @p0 $0x11530  }
0x27: {  	[spmem:s3] =	stream.indirect.scatter.add.f32 @p0 [tilespmem:s24], [sflag:$0x7], $0x10, s12, s7, $0xb8;
	[tilespmem:$0x1E500] =	vst v63  }
0x28: {  	s12 =	simm.s32 @p0 $0x9  }
0x29: {  	_ =	swait.ge @p0 [sflag:s12], $0x1F40  }
0x2a: {  	[sflag:s12] =	ssyncset.done @p0 $0x0  }
0x2b: {  	[sflag:s12] =	ssyncadd.s32 @p0 $0xFFFFE0C0  }
0x2c: {  	_ =	swait.ge @p0 [sflag:s12], $0x7D0  }
0x2d: {  	[sflag:s12] =	ssyncset.done @p0 $0x0  }
0x2e: {  	s24 =	simm.s32 @p0 $0xDE80;
	[sflag:s12] =	ssyncadd.s32 @p0 $0xFFFFF830;
	s12 =	simm.s32 @p0 $0x4F80  }
0x2f: {  	[tilespmem:s24], [sflag:$0x3] =	stream.indirect.gather @p0 [hbm4b:s15+s7], $0x40, s12, s7, $0xb8;
	[tilespmem:$0x1E500] =	vst v63  }
0x30: {  	s7 =	simm.s32 @p0 $0x2  }
0x31: {  	_ =	swait.ge @p0 [sflag:s7], $0x1F40  }
0x32: {  	[sflag:s7] =	ssyncset.done @p0 $0x0  }
0x33: {  	[sflag:s7] =	ssyncadd.s32 @p0 $0xFFFFE0C0;
	s7 =	simm.s32 @p0 $0x3  }
0x34: {  	_ =	swait.ge @p0 [sflag:s7], $0x1F40  }
0x35: {  	[sflag:s7] =	ssyncset.done @p0 $0x0  }
0x36: {  	[sflag:s7] =	ssyncadd.s32 @p0 $0xFFFFE0C0;
	s7 =	simm.s32 @!p0 $0x4  }
0x37: {  	_ =	swait.ge @!p0 [sflag:s7], $0x7D0  }
0x38: {  	s12 =	simm.s32 @!p0 $0x9F80;
	[sflag:s7] =	ssyncset.done @!p0 $0x0  }
0x39: {  	s24 =	simm.s32 @!p0 $0xA000;
	[sflag:s7] =	ssyncadd.s32 @!p0 $0xFFFFF830;
	s7 =	simm.s32 @!p0 $0x7D  }
0x3a: {  	[spmem:s1] =	stream.indirect.scatter.add.f32 @!p0 [tilespmem:s24], [sflag:$0x7], $0x40, s12, s7, $0xb8;
	[tilespmem:$0x1E500] =	vst v63  }
0x3b: {  	s24 =	simm.s32 @!p0 $0xFDC0  }
0x3c: {  	[spmem:s3] =	stream.indirect.scatter.add.f32 @!p0 [tilespmem:s24], [sflag:$0x7], $0x10, s12, s7, $0xb8;
	[tilespmem:$0x1E500] =	vst v63  }
0x3d: {  	s12 =	simm.s32 @!p0 $0x9  }
0x3e: {  	_ =	swait.ge @!p0 [sflag:s12], $0x1F40  }
0x3f: {  	[sflag:s12] =	ssyncset.done @!p0 $0x0  }
0x40: {  	[sflag:s12] =	ssyncadd.s32 @!p0 $0xFFFFE0C0  }
0x41: {  	_ =	swait.ge @!p0 [sflag:s12], $0x7D0  }
0x42: {  	[sflag:s12] =	ssyncset.done @!p0 $0x0  }
0x43: {  	s24 =	simm.s32 @!p0 $0xDE80;
	[sflag:s12] =	ssyncadd.s32 @!p0 $0xFFFFF830;
	s12 =	simm.s32 @!p0 $0x4F80  }
0x44: {  	[tilespmem:s24], [sflag:$0x3] =	stream.indirect.gather @!p0 [hbm4b:s15+s7], $0x40, s12, s7, $0xb8;
	[tilespmem:$0x1E500] =	vst v63  }
0x45: {  	s7 =	simm.s32 @!p0 $0x0;
	s12 =	simm.s32 @!p0 $0x10D60;
	s24 =	rddreg [dreg:$0x12]  }
0x46: {  	[tilespmem:s12], [sflag:$0x6] =	stream.linear.gather @!p0 [hbm4b:s24+s7], $0x7D0, $0x38;
	[tilespmem:$0x1E500] =	vst v63  }
0x47: {  	s7 =	simm.s32 @!p0 $0x2  }
0x48: {  	_ =	swait.ge @!p0 [sflag:s7], $0x1F40  }
0x49: {  	[sflag:s7] =	ssyncset.done @!p0 $0x0  }
0x4a: {  	[sflag:s7] =	ssyncadd.s32 @!p0 $0xFFFFE0C0;
	s7 =	simm.s32 @!p0 $0x5  }
0x4b: {  	_ =	swait.ge @!p0 [sflag:s7], $0x7D0  }
0x4c: {  	[sflag:s7] =	ssyncset.done @!p0 $0x0  }
0x4d: {  	[sflag:s7] =	ssyncadd.s32 @!p0 $0xFFFFF830;
	s7 =	simm.s32 @!p0 $0x3  }
0x4e: {  	_ =	swait.ge @!p0 [sflag:s7], $0x1F40  }
0x4f: {  	[sflag:s7] =	ssyncset.done @!p0 $0x0  }
0x50: {  	[sflag:s7] =	ssyncadd.s32 @!p0 $0xFFFFE0C0;
	s7 =	simm.s32 @!p0 $0x6  }
0x51: {  	_ =	swait.ge @!p0 [sflag:s7], $0x7D0  }
0x52: {  	[sflag:s7] =	ssyncset.done @!p0 $0x0  }
0x53: {  	[sflag:s7] =	ssyncadd.s32 @!p0 $0xFFFFF830  }
0x54: {  	_ =	swait.ge [sflag:s8], $0x1F40  }
0x55: {  	[sflag:s8] =	ssyncset.done $0x0  }
0x56: {  	[sflag:s8] =	ssyncadd.s32 $0xFFFFE0C0  }
0x57: {  	_ =	swait.ge [sflag:s8], $0x7D0  }
0x58: {  	[sflag:s8] =	ssyncset.done $0x0  }
0x59: {  	[sflag:s8] =	ssyncadd.s32 $0xFFFFF830  }
0x5a: {  	[bflag:$0x0] =	sbarrier.arrive $0xFFFF  }
0x5b: {  	s25 =	rddreg [dreg:$0x10]  }
0x5c: {  	s28 =	rddreg [dreg:$0x16]  }
0x5d: {  	[hbm:s25], [sflag:s10] =	dma.local [spmem:s28], $0x1400  }
0x5e: {  	_ =	swait.ge [sflag:s26], $0x1400  }
0x5f: {  	[sflag:s26] =	ssyncset.done $0x0;
	s24 =	rddreg [dreg:$0x14]  }
0x60: {  	s25 =	rddreg [dreg:$0x17];
	[sflag:s26] =	ssyncadd.s32 $0xFFFFEC00  }
0x61: {  	[hbm:s24], [sflag:s10] =	dma.local [spmem:s25], $0x500  }
0x62: {  	_ =	swait.ge [sflag:s26], $0x500  }
0x63: {  	s23 =	sadd.s32 $0x1, s23;
	s28 =	rddreg [dreg:$0x13]  }
0x64: {  	p2 =	sne.s32 s23, s28  }
.Ltmp1:
0x65: {  	_ = 	snop;
	(pc) =	sbr.rel @!p2 .LBB2_10-.Ltmp1, $3  }
0x66: {  	_ =	sdelay $0x1  }
0x67: {  	[sflag:s26] =	ssyncset.done $0x0  }
0x68: {  	s25 =	simm.s32 $0x5000;
	[sflag:s26] =	ssyncadd.s32 $0xFFFFFB00  }
.LBB2_1:
0x69: {  	s7 =	rddreg [dreg:$0x8]  }
0x6a: {  	s28 =	rddreg [dreg:$0x5];
	s12 =	sshrl.u32 s7, $0x3  }
0x6b: {  	[dreg:$0x16] =	wrdreg s12  }
0x6c: {  	[spmem:s12], [sflag:s10] =	dma.local [hbm:s28], $0x1400  }
0x6d: {  	_ =	swait.ge [sflag:s26], $0x1400  }
0x6e: {  	s12 =	rddreg [dreg:$0x9]  }
0x6f: {  	[sflag:s26] =	ssyncset.done $0x0;
	s28 =	rddreg [dreg:$0x6];
	s24 =	sshrl.u32 s12, $0x3  }
0x70: {  	[sflag:s26] =	ssyncadd.s32 $0xFFFFEC00;
	[dreg:$0x17] =	wrdreg s24  }
0x71: {  	[spmem:s24], [sflag:s10] =	dma.local [hbm:s28], $0x500  }
0x72: {  	_ =	swait.ge [sflag:s26], $0x500  }
0x73: {  	s7 =	simm.s32 @!p1 $0x0;
	[sflag:s26] =	ssyncset.done $0x0  }
0x74: {  	s12 =	simm.s32 @!p1 $0x11530;
	s24 =	rddreg [dreg:$0x7];
	[sflag:s26] =	ssyncadd.s32 $0xFFFFFB00  }
0x75: {  	[tilespmem:s12], [sflag:$0xA] =	stream.linear.gather @!p1 [hbm4b:s24+s7], $0x7D0, $0x38;
	[tilespmem:$0x1E500] =	vst v63  }
0x76: {  	s7 =	simm.s32 @!p1 $0xA  }
0x77: {  	_ =	swait.ge @!p1 [sflag:s7], $0x7D0  }
0x78: {  	[sflag:s7] =	ssyncset.done @!p1 $0x0  }
0x79: {  	s24 =	rddreg [dreg:$0xa];
	[sflag:s7] =	ssyncadd.s32 @!p1 $0xFFFFF830  }
0x7a: {  	[tilespmem:s4], [sflag:$0xA] =	stream.linear.gather [hbm4b:s24+s4], $0x5000, $0x38;
	[tilespmem:$0x1E500] =	vst v63  }
0x7b: {  	_ =	swait.ge [sflag:s26], $0x5000  }
0x7c: {  	[sflag:s26] =	ssyncset.done $0x0  }
0x7d: {  	s28 =	rddreg [dreg:$0xb];
	[sflag:s26] =	ssyncadd.s32 $0xFFFFB000  }
0x7e: {  	[tilespmem:s25], [sflag:$0xA] =	stream.linear.gather [hbm4b:s28+s4], $0x5000, $0x38;
	[tilespmem:$0x1E500] =	vst v63  }
.Ltmp2:
0x7f: {  	_ =	swait.ge [sflag:s26], $0x5000;
	(pc) =	sbr.rel @!p1 .LBB2_2-.Ltmp2, $4  }
0x80: {  	[sflag:s26] =	ssyncset.done $0x0  }
0x81: {  	[sflag:s26] =	ssyncadd.s32 $0xFFFFB000  }
0x82: {  	[bflag:$0x0] =	sbarrier.arrive $0xFFFF  }
0x83: {  	[tilespmem:s30], [sflag:$0x1] =	stream.indirect.gather [hbm4b:s15+s29], $0x40, s4, s29, $0xb8;
	[tilespmem:$0x1E500] =	vst v63  }
0x84: {  	s7 =	rddreg [dreg:$0xc]  }
0x85: {  	[tilespmem:s31], [sflag:$0x4] =	stream.linear.gather [hbm4b:s7+s4], $0x7D0, $0x38;
	[tilespmem:$0x1E500] =	vst v63  }
0x86: {  	s24 =	simm.s32 $0x80  }
0x87: {  	[tilespmem:s2], [sflag:$0x2] =	stream.indirect.gather [hbm4b:s15+s29], $0x40, s24, s29, $0xb8;
	[tilespmem:$0x1E500] =	vst v63  }
0x88: {  	s28 =	rddreg [dreg:$0xd]  }
0x89: {  	[tilespmem:s17], [sflag:$0x5] =	stream.linear.gather [hbm4b:s28+s4], $0x7D0, $0x38;
	[tilespmem:$0x1E500] =	vst v63  }
0x8a: {  	_ =	swait.ge [sflag:s18], $0x1F40  }
0x8b: {  	[sflag:s18] =	ssyncset.done $0x0  }
0x8c: {  	[sflag:s18] =	ssyncadd.s32 $0xFFFFE0C0  }
0x8d: {  	_ =	swait.ge [sflag:s19], $0x7D0  }
0x8e: {  	[sflag:s19] =	ssyncset.done $0x0  }
0x8f: {  	[sflag:s19] =	ssyncadd.s32 $0xFFFFF830  }
0x90: {  	[spmem:s1] =	stream.indirect.scatter.add.f32 [tilespmem:s30], [sflag:$0x7], $0x40, s25, s29, $0xb8;
	[tilespmem:$0x1E500] =	vst v63  }
0x91: {  	_ = 	snop  }
0x92: {  	[spmem:s3] =	stream.indirect.scatter.add.f32 [tilespmem:s31], [sflag:$0x7], $0x10, s25, s29, $0xb8;
	[tilespmem:$0x1E500] =	vst v63  }
0x93: {  	s12 =	simm.s32 $0x100  }
0x94: {  	[tilespmem:s0], [sflag:$0x3] =	stream.indirect.gather [hbm4b:s15+s29], $0x40, s12, s29, $0xb8;
	[tilespmem:$0x1E500] =	vst v63  }
0x95: {  	s24 =	rddreg [dreg:$0xe]  }
0x96: {  	[tilespmem:s21], [sflag:$0x6] =	stream.linear.gather [hbm4b:s24+s4], $0x7D0, $0x38;
	[tilespmem:$0x1E500] =	vst v63  }
0x97: {  	_ =	swait.ge [sflag:s16], $0x1F40  }
0x98: {  	[sflag:s16] =	ssyncset.done $0x0  }
0x99: {  	[sflag:s16] =	ssyncadd.s32 $0xFFFFE0C0  }
0x9a: {  	_ =	swait.ge [sflag:s6], $0x7D0  }
0x9b: {  	[sflag:s6] =	ssyncset.done $0x0  }
0x9c: {  	s25 =	simm.s32 $0x5080;
	[sflag:s6] =	ssyncadd.s32 $0xFFFFF830  }
0x9d: {  	[spmem:s1] =	stream.indirect.scatter.add.f32 [tilespmem:s2], [sflag:$0x8], $0x40, s25, s29, $0xb8;
	[tilespmem:$0x1E500] =	vst v63  }
0x9e: {  	_ = 	snop  }
0x9f: {  	[spmem:s3] =	stream.indirect.scatter.add.f32 [tilespmem:s17], [sflag:$0x8], $0x10, s25, s29, $0xb8;
	[tilespmem:$0x1E500] =	vst v63  }
0xa0: {  	_ =	swait.ge [sflag:s8], $0x1F40  }
0xa1: {  	[sflag:s8] =	ssyncset.done $0x0  }
0xa2: {  	[sflag:s8] =	ssyncadd.s32 $0xFFFFE0C0  }
0xa3: {  	_ =	swait.ge [sflag:s8], $0x7D0  }
0xa4: {  	[sflag:s8] =	ssyncset.done $0x0  }
0xa5: {  	s28 =	simm.s32 $0x180;
	[sflag:s8] =	ssyncadd.s32 $0xFFFFF830  }
0xa6: {  	[tilespmem:s30], [sflag:$0x1] =	stream.indirect.gather [hbm4b:s15+s29], $0x40, s28, s29, $0xb8;
	[tilespmem:$0x1E500] =	vst v63  }
0xa7: {  	s12 =	rddreg [dreg:$0xf]  }
0xa8: {  	[tilespmem:s31], [sflag:$0x4] =	stream.linear.gather [hbm4b:s12+s4], $0x7D0, $0x38;
	[tilespmem:$0x1E500] =	vst v63  }
0xa9: {  	_ =	swait.ge [sflag:s9], $0x1F40  }
0xaa: {  	[sflag:s9] =	ssyncset.done $0x0  }
0xab: {  	[sflag:s9] =	ssyncadd.s32 $0xFFFFE0C0  }
0xac: {  	_ =	swait.ge [sflag:s11], $0x7D0  }
0xad: {  	[sflag:s11] =	ssyncset.done $0x0  }
0xae: {  	s24 =	simm.s32 $0x5100;
	[sflag:s11] =	ssyncadd.s32 $0xFFFFF830  }
0xaf: {  	[spmem:s1] =	stream.indirect.scatter.add.f32 [tilespmem:s0], [sflag:$0x9], $0x40, s24, s29, $0xb8;
	[tilespmem:$0x1E500] =	vst v63  }
0xb0: {  	_ = 	snop  }
0xb1: {  	[spmem:s3] =	stream.indirect.scatter.add.f32 [tilespmem:s21], [sflag:$0x9], $0x10, s24, s29, $0xb8;
	[tilespmem:$0x1E500] =	vst v63  }
0xb2: {  	_ =	swait.ge [sflag:s13], $0x1F40  }
0xb3: {  	[sflag:s13] =	ssyncset.done $0x0  }
0xb4: {  	[sflag:s13] =	ssyncadd.s32 $0xFFFFE0C0  }
0xb5: {  	_ =	swait.ge [sflag:s13], $0x7D0  }
.Ltmp3:
0xb6: {  	[sflag:s13] =	ssyncset.done $0x0;
	(pc) =	sbr.rel .LBB2_4-.Ltmp3, $4  }
0xb7: {  	s25 =	simm.s32 $0x200;
	[sflag:s13] =	ssyncadd.s32 $0xFFFFF830  }
0xb8: {  	[tilespmem:s2], [sflag:$0x2] =	stream.indirect.gather [hbm4b:s15+s29], $0x40, s25, s29, $0xb8;
	[tilespmem:$0x1E500] =	vst v63  }
0xb9: {  	s28 =	rddreg [dreg:$0x11]  }
0xba: {  	[tilespmem:s17], [sflag:$0x5] =	stream.linear.gather [hbm4b:s28+s4], $0x7D0, $0x38;
	[tilespmem:$0x1E500] =	vst v63  }
.LBB2_2:
0xbb: {  	s7 =	simm.s32 $0x80  }
0xbc: {  	[tilespmem:s2], [sflag:$0x2] =	stream.indirect.gather [hbm4b:s15+s29], $0x40, s7, s29, $0xb8;
	[tilespmem:$0x1E500] =	vst v63  }
0xbd: {  	_ =	swait.ge [sflag:s18], $0x1F40  }
0xbe: {  	[sflag:s18] =	ssyncset.done $0x0  }
0xbf: {  	[sflag:s18] =	ssyncadd.s32 $0xFFFFE0C0  }
0xc0: {  	[spmem:s1] =	stream.indirect.scatter.add.f32 [tilespmem:s30], [sflag:$0x7], $0x40, s25, s29, $0xb8;
	[tilespmem:$0x1E500] =	vst v63  }
0xc1: {  	_ = 	snop  }
0xc2: {  	[spmem:s3] =	stream.indirect.scatter.add.f32 [tilespmem:s22], [sflag:$0x7], $0x10, s25, s29, $0xb8;
	[tilespmem:$0x1E500] =	vst v63  }
0xc3: {  	s28 =	simm.s32 $0x100  }
0xc4: {  	[tilespmem:s0], [sflag:$0x3] =	stream.indirect.gather [hbm4b:s15+s29], $0x40, s28, s29, $0xb8;
	[tilespmem:$0x1E500] =	vst v63  }
0xc5: {  	_ =	swait.ge [sflag:s16], $0x1F40  }
0xc6: {  	[sflag:s16] =	ssyncset.done $0x0  }
0xc7: {  	s12 =	simm.s32 $0x5080;
	[sflag:s16] =	ssyncadd.s32 $0xFFFFE0C0  }
0xc8: {  	[spmem:s1] =	stream.indirect.scatter.add.f32 [tilespmem:s2], [sflag:$0x8], $0x40, s12, s29, $0xb8;
	[tilespmem:$0x1E500] =	vst v63  }
0xc9: {  	_ = 	snop  }
0xca: {  	[spmem:s3] =	stream.indirect.scatter.add.f32 [tilespmem:s22], [sflag:$0x8], $0x10, s12, s29, $0xb8;
	[tilespmem:$0x1E500] =	vst v63  }
0xcb: {  	_ =	swait.ge [sflag:s8], $0x1F40  }
0xcc: {  	[sflag:s8] =	ssyncset.done $0x0  }
0xcd: {  	[sflag:s8] =	ssyncadd.s32 $0xFFFFE0C0  }
0xce: {  	_ =	swait.ge [sflag:s8], $0x7D0  }
0xcf: {  	[sflag:s8] =	ssyncset.done $0x0  }
0xd0: {  	s24 =	simm.s32 $0x180;
	[sflag:s8] =	ssyncadd.s32 $0xFFFFF830  }
0xd1: {  	[tilespmem:s30], [sflag:$0x1] =	stream.indirect.gather [hbm4b:s15+s29], $0x40, s24, s29, $0xb8;
	[tilespmem:$0x1E500] =	vst v63  }
0xd2: {  	_ =	swait.ge [sflag:s9], $0x1F40  }
0xd3: {  	[sflag:s9] =	ssyncset.done $0x0  }
0xd4: {  	s25 =	simm.s32 $0x5100;
	[sflag:s9] =	ssyncadd.s32 $0xFFFFE0C0  }
0xd5: {  	[spmem:s1] =	stream.indirect.scatter.add.f32 [tilespmem:s0], [sflag:$0x9], $0x40, s25, s29, $0xb8;
	[tilespmem:$0x1E500] =	vst v63  }
0xd6: {  	_ = 	snop  }
0xd7: {  	[spmem:s3] =	stream.indirect.scatter.add.f32 [tilespmem:s22], [sflag:$0x9], $0x10, s25, s29, $0xb8;
	[tilespmem:$0x1E500] =	vst v63  }
0xd8: {  	_ =	swait.ge [sflag:s13], $0x1F40  }
0xd9: {  	[sflag:s13] =	ssyncset.done $0x0  }
0xda: {  	[sflag:s13] =	ssyncadd.s32 $0xFFFFE0C0  }
0xdb: {  	_ =	swait.ge [sflag:s13], $0x7D0  }
0xdc: {  	[sflag:s13] =	ssyncset.done $0x0  }
0xdd: {  	s28 =	simm.s32 $0x200;
	[sflag:s13] =	ssyncadd.s32 $0xFFFFF830  }
0xde: {  	[tilespmem:s2], [sflag:$0x2] =	stream.indirect.gather [hbm4b:s15+s29], $0x40, s28, s29, $0xb8;
	[tilespmem:$0x1E500] =	vst v63  }
.LBB2_4:
.Ltmp4:
0xdf: {  	(pc) =	sbr.rel .LBB2_5-.Ltmp4, $2  }
0xe0: {  	_ =	sdelay $0x2  }
0xe1: {  	s7 =	simm.s32 $0x0;
	s12 =	simm.s32 $0x3;
	s28 =	rddreg [dreg:$0x15]  }
.LBB2_7:
0xe2: {  	_ =	swait.ge [sflag:s19], $0x7D0  }
0xe3: {  	[sflag:s19] =	ssyncset.done $0x0  }
0xe4: {  	[sflag:s19] =	ssyncadd.s32 $0xFFFFF830  }
0xe5: {  	[spmem:s1] =	stream.indirect.scatter.add.f32 [tilespmem:s30], [sflag:$0x7], $0x40, s25, s29, $0xb8;
	[tilespmem:$0x1E500] =	vst v63  }
0xe6: {  	_ = 	snop  }
0xe7: {  	[spmem:s3] =	stream.indirect.scatter.add.f32 [tilespmem:s31], [sflag:$0x7], $0x10, s25, s29, $0xb8;
	[tilespmem:$0x1E500] =	vst v63  }
0xe8: {  	_ =	swait.ge [sflag:s20], $0x1F40  }
0xe9: {  	[sflag:s20] =	ssyncset.done $0x0  }
0xea: {  	[sflag:s20] =	ssyncadd.s32 $0xFFFFE0C0  }
0xeb: {  	_ =	swait.ge [sflag:s20], $0x7D0  }
0xec: {  	[sflag:s20] =	ssyncset.done $0x0  }
0xed: {  	s25 =	sadd.s32 $0x280, s24;
	[sflag:s20] =	ssyncadd.s32 $0xFFFFF830  }
0xee: {  	[tilespmem:s0], [sflag:$0x3] =	stream.indirect.gather [hbm4b:s15+s29], $0x40, s25, s29, $0xb8;
	[tilespmem:$0x1E500] =	vst v63  }
0xef: {  	s25 =	sadd.s32 $0xFFFFFF06, s28  }
0xf0: {  	[tilespmem:s21], [sflag:$0x6] =	stream.linear.gather [hbm4b:s25+s4], $0x7D0, $0x38;
	[tilespmem:$0x1E500] =	vst v63  }
0xf1: {  	_ =	swait.ge [sflag:s16], $0x1F40  }
0xf2: {  	[sflag:s16] =	ssyncset.done $0x0  }
0xf3: {  	[sflag:s16] =	ssyncadd.s32 $0xFFFFE0C0  }
0xf4: {  	_ =	swait.ge [sflag:s6], $0x7D0  }
0xf5: {  	[sflag:s6] =	ssyncset.done $0x0  }
0xf6: {  	s25 =	sadd.s32 $0x5200, s24;
	[sflag:s6] =	ssyncadd.s32 $0xFFFFF830  }
0xf7: {  	[spmem:s1] =	stream.indirect.scatter.add.f32 [tilespmem:s2], [sflag:$0x8], $0x40, s25, s29, $0xb8;
	[tilespmem:$0x1E500] =	vst v63  }
0xf8: {  	_ = 	snop  }
0xf9: {  	[spmem:s3] =	stream.indirect.scatter.add.f32 [tilespmem:s17], [sflag:$0x8], $0x10, s25, s29, $0xb8;
	[tilespmem:$0x1E500] =	vst v63  }
0xfa: {  	_ =	swait.ge [sflag:s8], $0x1F40  }
0xfb: {  	[sflag:s8] =	ssyncset.done $0x0  }
0xfc: {  	[sflag:s8] =	ssyncadd.s32 $0xFFFFE0C0  }
0xfd: {  	_ =	swait.ge [sflag:s8], $0x7D0  }
0xfe: {  	[sflag:s8] =	ssyncset.done $0x0  }
0xff: {  	s25 =	sadd.s32 $0x300, s24;
	[sflag:s8] =	ssyncadd.s32 $0xFFFFF830  }
0x100: {  	[tilespmem:s30], [sflag:$0x1] =	stream.indirect.gather [hbm4b:s15+s29], $0x40, s25, s29, $0xb8;
	[tilespmem:$0x1E500] =	vst v63  }
0x101: {  	_ = 	snop  }
0x102: {  	[tilespmem:s31], [sflag:$0x4] =	stream.linear.gather [hbm4b:s28+s4], $0x7D0, $0x38;
	[tilespmem:$0x1E500] =	vst v63  }
0x103: {  	_ =	swait.ge [sflag:s9], $0x1F40  }
0x104: {  	[sflag:s9] =	ssyncset.done $0x0  }
0x105: {  	[sflag:s9] =	ssyncadd.s32 $0xFFFFE0C0  }
0x106: {  	_ =	swait.ge [sflag:s11], $0x7D0  }
0x107: {  	[sflag:s11] =	ssyncset.done $0x0  }
0x108: {  	s25 =	sadd.s32 $0x5280, s24;
	[sflag:s11] =	ssyncadd.s32 $0xFFFFF830  }
0x109: {  	[spmem:s1] =	stream.indirect.scatter.add.f32 [tilespmem:s0], [sflag:$0x9], $0x40, s25, s29, $0xb8;
	[tilespmem:$0x1E500] =	vst v63  }
0x10a: {  	_ = 	snop  }
0x10b: {  	[spmem:s3] =	stream.indirect.scatter.add.f32 [tilespmem:s21], [sflag:$0x9], $0x10, s25, s29, $0xb8;
	[tilespmem:$0x1E500] =	vst v63  }
0x10c: {  	s25 =	smin.u32 s12, $0x9B;
	_ =	swait.ge [sflag:s13], $0x1F40  }
0x10d: {  	s24 =	sadd.s32 $0x4, s25;
	[sflag:s13] =	ssyncset.done $0x0  }
0x10e: {  	s25 =	sshll.u32 s24, $0x7;
	s24 =	smul.u32 $0x7D, s24;
	[sflag:s13] =	ssyncadd.s32 $0xFFFFE0C0  }
0x10f: {  	_ =	swait.ge [sflag:s13], $0x7D0  }
0x110: {  	s24 =	sadd.s32 s14, s24;
	[sflag:s13] =	ssyncset.done $0x0  }
0x111: {  	s24 =	sshll.u32 s24, $0x1;
	[sflag:s13] =	ssyncadd.s32 $0xFFFFF830  }
0x112: {  	[tilespmem:s2], [sflag:$0x2] =	stream.indirect.gather [hbm4b:s15+s29], $0x40, s25, s29, $0xb8;
	[tilespmem:$0x1E500] =	vst v63  }
0x113: {  	s24 =	sadd.s32 s5, s24  }
0x114: {  	[tilespmem:s17], [sflag:$0x5] =	stream.linear.gather [hbm4b:s24+s4], $0x7D0, $0x38;
	[tilespmem:$0x1E500] =	vst v63  }
.LBB2_8:
0x115: {  	s7 =	sadd.s32 $0x600, s7  }
0x116: {  	p2 =	sne.s32 s7, $0x13800  }
.Ltmp5:
0x117: {  	_ = 	snop;
	(pc) =	sbr.rel @!p2 .LBB2_9-.Ltmp5, $2  }
0x118: {  	_ =	sdelay $0x2  }
0x119: {  	s12 =	sadd.s32 $0x3, s12;
	s28 =	sadd.s32 $0x2EE, s28  }
.LBB2_5:
.Ltmp6:
0x11a: {  	(pc) =	sbr.rel @p1 .LBB2_7-.Ltmp6, $4  }
0x11b: {  	_ = 	snop  }
0x11c: {  	_ =	swait.ge [sflag:s18], $0x1F40  }
0x11d: {  	s24 =	sshra.s32 s7, $0x2;
	[sflag:s18] =	ssyncset.done $0x0  }
0x11e: {  	s25 =	sadd.s32 $0x5180, s24;
	[sflag:s18] =	ssyncadd.s32 $0xFFFFE0C0  }
0x11f: {  	[spmem:s1] =	stream.indirect.scatter.add.f32 [tilespmem:s30], [sflag:$0x7], $0x40, s25, s29, $0xb8;
	[tilespmem:$0x1E500] =	vst v63  }
0x120: {  	_ = 	snop  }
0x121: {  	[spmem:s3] =	stream.indirect.scatter.add.f32 [tilespmem:s22], [sflag:$0x7], $0x10, s25, s29, $0xb8;
	[tilespmem:$0x1E500] =	vst v63  }
0x122: {  	_ =	swait.ge [sflag:s20], $0x1F40  }
0x123: {  	[sflag:s20] =	ssyncset.done $0x0  }
0x124: {  	[sflag:s20] =	ssyncadd.s32 $0xFFFFE0C0  }
0x125: {  	_ =	swait.ge [sflag:s20], $0x7D0  }
0x126: {  	[sflag:s20] =	ssyncset.done $0x0  }
0x127: {  	s25 =	sadd.s32 $0x280, s24;
	[sflag:s20] =	ssyncadd.s32 $0xFFFFF830  }
0x128: {  	[tilespmem:s0], [sflag:$0x3] =	stream.indirect.gather [hbm4b:s15+s29], $0x40, s25, s29, $0xb8;
	[tilespmem:$0x1E500] =	vst v63  }
0x129: {  	_ =	swait.ge [sflag:s16], $0x1F40  }
0x12a: {  	[sflag:s16] =	ssyncset.done $0x0  }
0x12b: {  	s25 =	sadd.s32 $0x5200, s24;
	[sflag:s16] =	ssyncadd.s32 $0xFFFFE0C0  }
0x12c: {  	[spmem:s1] =	stream.indirect.scatter.add.f32 [tilespmem:s2], [sflag:$0x8], $0x40, s25, s29, $0xb8;
	[tilespmem:$0x1E500] =	vst v63  }
0x12d: {  	_ = 	snop  }
0x12e: {  	[spmem:s3] =	stream.indirect.scatter.add.f32 [tilespmem:s22], [sflag:$0x8], $0x10, s25, s29, $0xb8;
	[tilespmem:$0x1E500] =	vst v63  }
0x12f: {  	_ =	swait.ge [sflag:s8], $0x1F40  }
0x130: {  	[sflag:s8] =	ssyncset.done $0x0  }
0x131: {  	[sflag:s8] =	ssyncadd.s32 $0xFFFFE0C0  }
0x132: {  	_ =	swait.ge [sflag:s8], $0x7D0  }
0x133: {  	[sflag:s8] =	ssyncset.done $0x0  }
0x134: {  	s25 =	sadd.s32 $0x300, s24;
	[sflag:s8] =	ssyncadd.s32 $0xFFFFF830  }
0x135: {  	[tilespmem:s30], [sflag:$0x1] =	stream.indirect.gather [hbm4b:s15+s29], $0x40, s25, s29, $0xb8;
	[tilespmem:$0x1E500] =	vst v63  }
0x136: {  	_ =	swait.ge [sflag:s9], $0x1F40  }
0x137: {  	[sflag:s9] =	ssyncset.done $0x0  }
0x138: {  	s25 =	sadd.s32 $0x5280, s24;
	[sflag:s9] =	ssyncadd.s32 $0xFFFFE0C0  }
0x139: {  	[spmem:s1] =	stream.indirect.scatter.add.f32 [tilespmem:s0], [sflag:$0x9], $0x40, s25, s29, $0xb8;
	[tilespmem:$0x1E500] =	vst v63  }
0x13a: {  	_ = 	snop  }
0x13b: {  	[spmem:s3] =	stream.indirect.scatter.add.f32 [tilespmem:s22], [sflag:$0x9], $0x10, s25, s29, $0xb8;
	[tilespmem:$0x1E500] =	vst v63  }
0x13c: {  	_ =	swait.ge [sflag:s13], $0x1F40  }
0x13d: {  	[sflag:s13] =	ssyncset.done $0x0  }
.Ltmp7:
0x13e: {  	[sflag:s13] =	ssyncadd.s32 $0xFFFFE0C0;
	(pc) =	sbr.rel .LBB2_8-.Ltmp7, $4  }
0x13f: {  	s25 =	smin.u32 s12, $0x9B;
	_ =	swait.ge [sflag:s13], $0x7D0  }
0x140: {  	s24 =	sshll.u32 s25, $0x7;
	[sflag:s13] =	ssyncset.done $0x0  }
0x141: {  	s24 =	sadd.s32 $0x200, s24;
	[sflag:s13] =	ssyncadd.s32 $0xFFFFF830  }
0x142: {  	[tilespmem:s2], [sflag:$0x2] =	stream.indirect.gather [hbm4b:s15+s29], $0x40, s24, s29, $0xb8;
	[tilespmem:$0x1E500] =	vst v63  }
.LBB2_10:
0x143: {  	_ =	sfence.sel $0x180000  }
0x144: {  	[bflag:$0x0] =	sbarrier.arrive $0xFFFF  }
0x145: {  	_ =	strace $0x90000047  }
0x146: {  	s0 =	stileid.u32;
	[bflag:$0x2] =	sbarrier.arrive $0xFFFF  }
0x147: {  	p0 =	sne.s32 s0, $0x0;
	s0 =	rddreg [dreg:$0x4]  }
0x148: {  	s0 =	sadd.s32 @!p0 $0x100000, s0  }
0x149: {  	[sflag:s0] =	ssyncadd.tile.s32 @!p0 $0x1;
	_ =	shalt  }
.Lfunc_end2:
_tile_overlayer_lowered:
.L_overlay_start_2:
0x14a: {  	(tag) =	ssettag $0x2  }
0x14b: {  	s0 =	rddreg [dreg:$0x0];
	s2 =	stileid.u32  }
0x14c: {  	s1 =	rddreg [dreg:$0x1];
	p0 =	sne.s32 s2, $0x0  }
0x14d: {  	s3 =	rddreg [dreg:$0x2];
	[bflag:$0x3] =	sbarrier.arrive $0xFFFF;
	s2 =	simm.s32 @!p0 $0x1C0A  }
0x14e: {  	[timem:s3], [sflag:s2] =	dma.local @!p0 [hbm:s0], s1  }
0x14f: {  	s0 =	simm.s32 @!p0 $0xA  }
0x150: {  	_ =	swait.ge @!p0 [sflag:s0], s1  }
0x151: {  	s1 =	ssub.s32 @!p0 $0x0, s1;
	[sflag:s0] =	ssyncset.done @!p0 $0x0  }
0x152: {  	[sflag:s0] =	ssyncadd.s32 @!p0 s1  }
0x153: {  	[bflag:$0x3] =	sbarrier.arrive $0xFFFF  }
0x154: {  	_ =	shalt  }

</sc_bundles>
